<compile_context>
chip_gen: v7x
topology: tpu7x:2x2x1
jax: 0.10.2.dev20260603
libtpu: 0.0.44.dev20260713+nightly
codegen_flags: <defaults>
</compile_context>

<pallas_src>
import jax
import jax.numpy as jnp
from jax import lax
from jax.experimental import pallas as pl
from jax.experimental.pallas import tpu as pltpu
from jax.experimental.pallas import tpu_sc as plsc

N = 10000
D = 128
E = 320000

NUM_CORES = 2
NUM_SUBCORES = 16
LANES = 16
DH = D // NUM_CORES
N_PAD = 10240
ROWS_PER_TILE = N_PAD // NUM_SUBCORES
NB = 32
NBLOCKS = ROWS_PER_TILE // NB
CHUNK = 128
E_PAD = 327680
EDGES_PER_TILE = E_PAD // NUM_SUBCORES
NUM_CHUNKS = EDGES_PER_TILE // CHUNK
CNT_W = 16


def _body(x2, src2d, dst2d, zrows_hbm, zcnt_hbm, ones_hbm, out_hbm,
          table_sh, acc_sh, cnt_sh,
          srcp_v, dstp_v, rows0_v, rows1_v, rows2_v, rows3_v,
          ones_v, cntblk_v, norm_v,
          gs0, gs1, gs2, gs3, as0, as1, as2, as3, cs0, cs1, cs2, cs3):
  cid = lax.axis_index("c")
  sid = lax.axis_index("s")
  base_n = sid * ROWS_PER_TILE
  base_ch = sid * NUM_CHUNKS

  def zero_acc_slice():
    pltpu.sync_copy(zrows_hbm, acc_sh.at[pl.ds(base_n, ROWS_PER_TILE)])

  zero_acc_slice()
  pltpu.sync_copy(zcnt_hbm, cnt_sh.at[pl.ds(base_n, ROWS_PER_TILE)])
  pltpu.sync_copy(ones_hbm, ones_v)
  pltpu.sync_copy(
      x2.at[pl.ds(cid * N_PAD + base_n, ROWS_PER_TILE)],
      table_sh.at[pl.ds(base_n, ROWS_PER_TILE)])
  plsc.subcore_barrier()

  def edge_loop(count_too):
    def quad_body(q, c):
      ch0 = base_ch + q * 4
      pltpu.sync_copy(src2d.at[pl.ds(ch0, 4)], srcp_v)
      pltpu.sync_copy(dst2d.at[pl.ds(ch0, 4)], dstp_v)
      g0 = pltpu.async_copy(table_sh.at[srcp_v.at[0]], rows0_v, gs0)
      g1 = pltpu.async_copy(table_sh.at[srcp_v.at[1]], rows1_v, gs1)
      if count_too:
        c0 = pltpu.async_copy(ones_v, cnt_sh.at[dstp_v.at[0]], cs0, add=True)
        c1 = pltpu.async_copy(ones_v, cnt_sh.at[dstp_v.at[1]], cs1, add=True)
        c2 = pltpu.async_copy(ones_v, cnt_sh.at[dstp_v.at[2]], cs2, add=True)
        c3 = pltpu.async_copy(ones_v, cnt_sh.at[dstp_v.at[3]], cs3, add=True)
      g0.wait()
      a0 = pltpu.async_copy(rows0_v, acc_sh.at[dstp_v.at[0]], as0, add=True)
      g1.wait()
      a1 = pltpu.async_copy(rows1_v, acc_sh.at[dstp_v.at[1]], as1, add=True)
      g2 = pltpu.async_copy(table_sh.at[srcp_v.at[2]], rows2_v, gs2)
      g3 = pltpu.async_copy(table_sh.at[srcp_v.at[3]], rows3_v, gs3)
      a0.wait()
      a1.wait()
      g2.wait()
      a2 = pltpu.async_copy(rows2_v, acc_sh.at[dstp_v.at[2]], as2, add=True)
      g3.wait()
      a3 = pltpu.async_copy(rows3_v, acc_sh.at[dstp_v.at[3]], as3, add=True)
      if count_too:
        c0.wait()
        c1.wait()
        c2.wait()
        c3.wait()
      a2.wait()
      a3.wait()
      return c
    lax.fori_loop(0, NUM_CHUNKS // 4, quad_body, 0)

  edge_loop(count_too=True)
  plsc.subcore_barrier()

  def normalize(dst_ref, dst_base):
    def blk(b, c):
      row0 = base_n + b * NB
      pltpu.sync_copy(acc_sh.at[pl.ds(row0, NB)], norm_v)
      pltpu.sync_copy(cnt_sh.at[pl.ds(row0, NB)], cntblk_v)

      def nr(r, cc):
        iv16 = 1.0 / jnp.maximum(cntblk_v[r, :], 1.0)
        for j in range(DH // LANES):
          sl = pl.ds(j * LANES, LANES)
          norm_v[r, sl] = norm_v[r, sl] * iv16
        return cc
      lax.fori_loop(0, NB, nr, 0)
      pltpu.sync_copy(norm_v, dst_ref.at[pl.ds(dst_base + b * NB, NB)])
      return c
    lax.fori_loop(0, NBLOCKS, blk, 0)

  normalize(table_sh, base_n)
  zero_acc_slice()
  plsc.subcore_barrier()

  edge_loop(count_too=False)
  plsc.subcore_barrier()

  normalize(out_hbm, cid * N_PAD + base_n)


@jax.jit
def kernel(x, edge_index):
  x2 = jnp.zeros((NUM_CORES * N_PAD, DH), jnp.float32)
  x2 = x2.at[:N].set(x[:, :DH]).at[N_PAD:N_PAD + N].set(x[:, DH:])

  pad = E_PAD - E
  pad_ids = jnp.arange(pad, dtype=jnp.int32)
  src = jnp.concatenate([edge_index[0], pad_ids % N]).reshape(-1, CHUNK)
  dst = jnp.concatenate(
      [edge_index[1], N + pad_ids % (N_PAD - N)]).reshape(-1, CHUNK)

  zrows = jnp.zeros((ROWS_PER_TILE, DH), jnp.float32)
  zcnt = jnp.zeros((ROWS_PER_TILE, CNT_W), jnp.float32)
  ones = jnp.ones((CHUNK, CNT_W), jnp.float32)

  mesh = plsc.VectorSubcoreMesh(core_axis_name="c", subcore_axis_name="s")
  out = pl.kernel(
      _body,
      out_type=jax.ShapeDtypeStruct((NUM_CORES * N_PAD, DH), jnp.float32),
      mesh=mesh,
      compiler_params=pltpu.CompilerParams(use_tc_tiling_on_sc=False),
      scratch_types=[
          pltpu.VMEM_SHARED((N_PAD, DH), jnp.float32),
          pltpu.VMEM_SHARED((N_PAD, DH), jnp.float32),
          pltpu.VMEM_SHARED((N_PAD, CNT_W), jnp.float32),
          pltpu.VMEM((4, CHUNK), jnp.int32),
          pltpu.VMEM((4, CHUNK), jnp.int32),
          pltpu.VMEM((CHUNK, DH), jnp.float32),
          pltpu.VMEM((CHUNK, DH), jnp.float32),
          pltpu.VMEM((CHUNK, DH), jnp.float32),
          pltpu.VMEM((CHUNK, DH), jnp.float32),
          pltpu.VMEM((CHUNK, CNT_W), jnp.float32),
          pltpu.VMEM((NB, CNT_W), jnp.float32),
          pltpu.VMEM((NB, DH), jnp.float32),
          pltpu.SemaphoreType.DMA,
          pltpu.SemaphoreType.DMA,
          pltpu.SemaphoreType.DMA,
          pltpu.SemaphoreType.DMA,
          pltpu.SemaphoreType.DMA,
          pltpu.SemaphoreType.DMA,
          pltpu.SemaphoreType.DMA,
          pltpu.SemaphoreType.DMA,
          pltpu.SemaphoreType.DMA,
          pltpu.SemaphoreType.DMA,
          pltpu.SemaphoreType.DMA,
          pltpu.SemaphoreType.DMA,
      ],
  )(x2, src, dst, zrows, zcnt, ones)

  return jnp.concatenate([out[:N], out[N_PAD:N_PAD + N]], axis=1)

# --- scband reference (transcript-rebuilt; emitter-appended) ---
"""Pipeline reference for scband-simple-graph-conv-12068858102168 (READ-ONLY COPY).

The authoritative reference and input builder live on the scoring server;
editing this copy changes nothing except your own understanding.
"""

import jax, jax.numpy as jnp
import numpy as np

N = 10000
D = 128
E = 320000
L = 2

def setup_inputs(seed: int = 0) -> dict:
    key = jax.random.key(seed)
    k1, k2 = jax.random.split(key)
    x = jax.random.normal(k1, (N, D), dtype=jnp.float32)
    edge_index = jax.random.randint(k2, (2, E), 0, N, dtype=jnp.int32)
    return {"x": x, "edge_index": edge_index}

def _mean_pool(x, edge_index):
    # PyG SimpleConv(aggr='mean'): out[i] = mean_{(j->i) in E} x[j]; isolated dst nodes get 0
    src = edge_index[0]
    dst = edge_index[1]
    msgs = jnp.take(x, src, axis=0)
    sums = jax.ops.segment_sum(msgs, dst, num_segments=N)
    cnt = jax.ops.segment_sum(jnp.ones((src.shape[0],), dtype=x.dtype), dst, num_segments=N)
    return sums / jnp.clip(cnt, 1.0)[:, None]

def reference(x, edge_index):
    # num_layers=2, require_weights=False (no linear), self_loop=False, sigma=0 (no noise)
    h = x
    for _ in range(L):
        h = _mean_pool(h, edge_index)
    return h

if __name__ == "__main__":
    import jax
    _d = setup_inputs()
    print(jax.jit(kernel)(*tuple(_d.values())))

</pallas_src>

<mosaic_0001>
#map = affine_map<(d0, d1) -> (0, 0)>
module attributes {stable_mosaic.version = 14 : i64} {
  func.func @_body(%arg0: i32, %arg1: i32, %arg2: memref<20480x64xf32, #tpu.memory_space<hbm>>, %arg3: memref<2560x128xi32, #tpu.memory_space<hbm>>, %arg4: memref<2560x128xi32, #tpu.memory_space<hbm>>, %arg5: memref<640x64xf32, #tpu.memory_space<hbm>>, %arg6: memref<640x16xf32, #tpu.memory_space<hbm>>, %arg7: memref<128x16xf32, #tpu.memory_space<hbm>>, %arg8: memref<20480x64xf32, #tpu.memory_space<hbm>>, %arg9: memref<10240x64xf32, #tpu.memory_space<vmem_shared>>, %arg10: memref<10240x64xf32, #tpu.memory_space<vmem_shared>>, %arg11: memref<10240x16xf32, #tpu.memory_space<vmem_shared>>, %arg12: memref<4x128xi32, #tpu.memory_space<vmem>>, %arg13: memref<4x128xi32, #tpu.memory_space<vmem>>, %arg14: memref<128x64xf32, #tpu.memory_space<vmem>>, %arg15: memref<128x64xf32, #tpu.memory_space<vmem>>, %arg16: memref<128x64xf32, #tpu.memory_space<vmem>>, %arg17: memref<128x64xf32, #tpu.memory_space<vmem>>, %arg18: memref<128x16xf32, #tpu.memory_space<vmem>>, %arg19: memref<32x16xf32, #tpu.memory_space<vmem>>, %arg20: memref<32x64xf32, #tpu.memory_space<vmem>>, %arg21: memref<!tpu.dma_semaphore, #tpu.memory_space<semaphore_mem>>, %arg22: memref<!tpu.dma_semaphore, #tpu.memory_space<semaphore_mem>>, %arg23: memref<!tpu.dma_semaphore, #tpu.memory_space<semaphore_mem>>, %arg24: memref<!tpu.dma_semaphore, #tpu.memory_space<semaphore_mem>>, %arg25: memref<!tpu.dma_semaphore, #tpu.memory_space<semaphore_mem>>, %arg26: memref<!tpu.dma_semaphore, #tpu.memory_space<semaphore_mem>>, %arg27: memref<!tpu.dma_semaphore, #tpu.memory_space<semaphore_mem>>, %arg28: memref<!tpu.dma_semaphore, #tpu.memory_space<semaphore_mem>>, %arg29: memref<!tpu.dma_semaphore, #tpu.memory_space<semaphore_mem>>, %arg30: memref<!tpu.dma_semaphore, #tpu.memory_space<semaphore_mem>>, %arg31: memref<!tpu.dma_semaphore, #tpu.memory_space<semaphore_mem>>, %arg32: memref<!tpu.dma_semaphore, #tpu.memory_space<semaphore_mem>>) attributes {dimension_semantics = [#tpu.dimension_semantics<core_parallel>, #tpu.dimension_semantics<subcore_parallel>], iteration_bounds = array<i64: 2, 16>, scalar_prefetch = 0 : i64, scratch_operands = 24 : i64, tpu.core_type = #tpu.core_type<sc_vector_subcore>, window_params = [{transform_indices = #map}, {transform_indices = #map}, {transform_indices = #map}, {transform_indices = #map}, {transform_indices = #map}, {transform_indices = #map}, {transform_indices = #map}]} {
    %mul3A = arith.constant 640 : i32
    %mul3A_0 = arith.muli %arg1, %mul3A : i32
    %mul3A_1 = arith.constant 160 : i32
    %mul3A_2 = arith.muli %arg1, %mul3A_1 : i32
    "tpu.region"() ({
      %run_scoped3A = tpu.sem_alloc : memref<!tpu.dma_semaphore, #tpu.memory_space<semaphore_mem>>
      %dma_start3A = arith.constant 0 : i32
      %dma_start3A_34 = tpu.memref_slice %arg10[%mul3A_0, %dma_start3A] : memref<10240x64xf32, #tpu.memory_space<vmem_shared>> -> memref<640x64xf32, #tpu.memory_space<vmem_shared>>
      tpu.enqueue_dma source(%arg5 : memref<640x64xf32, #tpu.memory_space<hbm>>) target(%dma_start3A_34 : memref<640x64xf32, #tpu.memory_space<vmem_shared>>) target_semaphore(%run_scoped3A : memref<!tpu.dma_semaphore, #tpu.memory_space<semaphore_mem>>)
      %dma_wait3A = arith.constant 0 : i32
      %dma_wait3A_35 = tpu.memref_slice %arg10[%mul3A_0, %dma_wait3A] : memref<10240x64xf32, #tpu.memory_space<vmem_shared>> -> memref<640x64xf32, #tpu.memory_space<vmem_shared>>
      tpu.wait_dma2 semaphore(%run_scoped3A : memref<!tpu.dma_semaphore, #tpu.memory_space<semaphore_mem>>) src(%arg5 : memref<640x64xf32, #tpu.memory_space<hbm>>) dst(%dma_wait3A_35 : memref<640x64xf32, #tpu.memory_space<vmem_shared>>)
      tpu.yield
    }) : () -> ()
    "tpu.region"() ({
      %run_scoped3A = tpu.sem_alloc : memref<!tpu.dma_semaphore, #tpu.memory_space<semaphore_mem>>
      %dma_start3A = arith.constant 0 : i32
      %dma_start3A_34 = tpu.memref_slice %arg11[%mul3A_0, %dma_start3A] : memref<10240x16xf32, #tpu.memory_space<vmem_shared>> -> memref<640x16xf32, #tpu.memory_space<vmem_shared>>
      tpu.enqueue_dma source(%arg6 : memref<640x16xf32, #tpu.memory_space<hbm>>) target(%dma_start3A_34 : memref<640x16xf32, #tpu.memory_space<vmem_shared>>) target_semaphore(%run_scoped3A : memref<!tpu.dma_semaphore, #tpu.memory_space<semaphore_mem>>)
      %dma_wait3A = arith.constant 0 : i32
      %dma_wait3A_35 = tpu.memref_slice %arg11[%mul3A_0, %dma_wait3A] : memref<10240x16xf32, #tpu.memory_space<vmem_shared>> -> memref<640x16xf32, #tpu.memory_space<vmem_shared>>
      tpu.wait_dma2 semaphore(%run_scoped3A : memref<!tpu.dma_semaphore, #tpu.memory_space<semaphore_mem>>) src(%arg6 : memref<640x16xf32, #tpu.memory_space<hbm>>) dst(%dma_wait3A_35 : memref<640x16xf32, #tpu.memory_space<vmem_shared>>)
      tpu.yield
    }) : () -> ()
    "tpu.region"() ({
      %run_scoped3A = tpu.sem_alloc : memref<!tpu.dma_semaphore, #tpu.memory_space<semaphore_mem>>
      tpu.enqueue_dma source(%arg7 : memref<128x16xf32, #tpu.memory_space<hbm>>) target(%arg18 : memref<128x16xf32, #tpu.memory_space<vmem>>) target_semaphore(%run_scoped3A : memref<!tpu.dma_semaphore, #tpu.memory_space<semaphore_mem>>)
      tpu.wait_dma2 semaphore(%run_scoped3A : memref<!tpu.dma_semaphore, #tpu.memory_space<semaphore_mem>>) src(%arg7 : memref<128x16xf32, #tpu.memory_space<hbm>>) dst(%arg18 : memref<128x16xf32, #tpu.memory_space<vmem>>)
      tpu.yield
    }) : () -> ()
    %mul3A_3 = arith.constant 10240 : i32
    %mul3A_4 = arith.muli %arg0, %mul3A_3 : i32
    %add3A = arith.addi %mul3A_4, %mul3A_0 : i32
    "tpu.region"() ({
      %run_scoped3A = tpu.sem_alloc : memref<!tpu.dma_semaphore, #tpu.memory_space<semaphore_mem>>
      %dma_start3A = arith.constant 0 : i32
      %dma_start3A_34 = tpu.memref_slice %arg9[%mul3A_0, %dma_start3A] : memref<10240x64xf32, #tpu.memory_space<vmem_shared>> -> memref<640x64xf32, #tpu.memory_space<vmem_shared>>
      %dma_start3A_35 = arith.constant 0 : i32
      %dma_start3A_36 = tpu.memref_slice %arg2[%add3A, %dma_start3A_35] : memref<20480x64xf32, #tpu.memory_space<hbm>> -> memref<640x64xf32, #tpu.memory_space<hbm>>
      tpu.enqueue_dma source(%dma_start3A_36 : memref<640x64xf32, #tpu.memory_space<hbm>>) target(%dma_start3A_34 : memref<640x64xf32, #tpu.memory_space<vmem_shared>>) target_semaphore(%run_scoped3A : memref<!tpu.dma_semaphore, #tpu.memory_space<semaphore_mem>>)
      %dma_wait3A = arith.constant 0 : i32
      %dma_wait3A_37 = tpu.memref_slice %arg9[%mul3A_0, %dma_wait3A] : memref<10240x64xf32, #tpu.memory_space<vmem_shared>> -> memref<640x64xf32, #tpu.memory_space<vmem_shared>>
      %dma_wait3A_38 = arith.constant 0 : i32
      %dma_wait3A_39 = tpu.memref_slice %arg2[%add3A, %dma_wait3A_38] : memref<20480x64xf32, #tpu.memory_space<hbm>> -> memref<640x64xf32, #tpu.memory_space<hbm>>
      tpu.wait_dma2 semaphore(%run_scoped3A : memref<!tpu.dma_semaphore, #tpu.memory_space<semaphore_mem>>) src(%dma_wait3A_39 : memref<640x64xf32, #tpu.memory_space<hbm>>) dst(%dma_wait3A_37 : memref<640x64xf32, #tpu.memory_space<vmem_shared>>)
      tpu.yield
    }) : () -> ()
    %barrier3A = arith.constant 0 : index
    tpu.barrier barrier_id(%barrier3A)
    %scan3A = arith.constant 0 : i32
    %scan3A_5 = arith.constant 0 : i32
    %scan3A_6 = arith.constant 40 : i32
    %scan3A_7 = arith.addi %scan3A_5, %scan3A_6 : i32
    %scan3A_8 = arith.constant 1 : i32
    scf.for %scan3A_34 = %scan3A_5 to %scan3A_7 step %scan3A_8  : i32 {
      %mul3A_35 = arith.constant 4 : i32
      %mul3A_36 = arith.muli %scan3A_34, %mul3A_35 : i32
      %add3A_37 = arith.addi %mul3A_2, %mul3A_36 : i32
      "tpu.region"() ({
        %run_scoped3A = tpu.sem_alloc : memref<!tpu.dma_semaphore, #tpu.memory_space<semaphore_mem>>
        %dma_start3A_204 = arith.constant 0 : i32
        %dma_start3A_205 = tpu.memref_slice %arg3[%add3A_37, %dma_start3A_204] : memref<2560x128xi32, #tpu.memory_space<hbm>> -> memref<4x128xi32, #tpu.memory_space<hbm>>
        %dma_start3A_206 = arith.constant 0 : i32
        %dma_start3A_207 = tpu.memref_slice %arg3[%add3A_37, %dma_start3A_206] : memref<2560x128xi32, #tpu.memory_space<hbm>> -> memref<4x128xi32, #tpu.memory_space<hbm>>
        tpu.enqueue_dma source(%dma_start3A_207 : memref<4x128xi32, #tpu.memory_space<hbm>>) target(%arg12 : memref<4x128xi32, #tpu.memory_space<vmem>>) target_semaphore(%run_scoped3A : memref<!tpu.dma_semaphore, #tpu.memory_space<semaphore_mem>>)
        %dma_wait3A_208 = arith.constant 0 : i32
        %dma_wait3A_209 = tpu.memref_slice %arg3[%add3A_37, %dma_wait3A_208] : memref<2560x128xi32, #tpu.memory_space<hbm>> -> memref<4x128xi32, #tpu.memory_space<hbm>>
        %dma_wait3A_210 = arith.constant 0 : i32
        %dma_wait3A_211 = tpu.memref_slice %arg3[%add3A_37, %dma_wait3A_210] : memref<2560x128xi32, #tpu.memory_space<hbm>> -> memref<4x128xi32, #tpu.memory_space<hbm>>
        tpu.wait_dma2 semaphore(%run_scoped3A : memref<!tpu.dma_semaphore, #tpu.memory_space<semaphore_mem>>) src(%dma_wait3A_211 : memref<4x128xi32, #tpu.memory_space<hbm>>) dst(%arg12 : memref<4x128xi32, #tpu.memory_space<vmem>>)
        tpu.yield
      }) : () -> ()
      "tpu.region"() ({
        %run_scoped3A = tpu.sem_alloc : memref<!tpu.dma_semaphore, #tpu.memory_space<semaphore_mem>>
        %dma_start3A_204 = arith.constant 0 : i32
        %dma_start3A_205 = tpu.memref_slice %arg4[%add3A_37, %dma_start3A_204] : memref<2560x128xi32, #tpu.memory_space<hbm>> -> memref<4x128xi32, #tpu.memory_space<hbm>>
        %dma_start3A_206 = arith.constant 0 : i32
        %dma_start3A_207 = tpu.memref_slice %arg4[%add3A_37, %dma_start3A_206] : memref<2560x128xi32, #tpu.memory_space<hbm>> -> memref<4x128xi32, #tpu.memory_space<hbm>>
        tpu.enqueue_dma source(%dma_start3A_207 : memref<4x128xi32, #tpu.memory_space<hbm>>) target(%arg13 : memref<4x128xi32, #tpu.memory_space<vmem>>) target_semaphore(%run_scoped3A : memref<!tpu.dma_semaphore, #tpu.memory_space<semaphore_mem>>)
        %dma_wait3A_208 = arith.constant 0 : i32
        %dma_wait3A_209 = tpu.memref_slice %arg4[%add3A_37, %dma_wait3A_208] : memref<2560x128xi32, #tpu.memory_space<hbm>> -> memref<4x128xi32, #tpu.memory_space<hbm>>
        %dma_wait3A_210 = arith.constant 0 : i32
        %dma_wait3A_211 = tpu.memref_slice %arg4[%add3A_37, %dma_wait3A_210] : memref<2560x128xi32, #tpu.memory_space<hbm>> -> memref<4x128xi32, #tpu.memory_space<hbm>>
        tpu.wait_dma2 semaphore(%run_scoped3A : memref<!tpu.dma_semaphore, #tpu.memory_space<semaphore_mem>>) src(%dma_wait3A_211 : memref<4x128xi32, #tpu.memory_space<hbm>>) dst(%arg13 : memref<4x128xi32, #tpu.memory_space<vmem>>)
        tpu.yield
      }) : () -> ()
      %dma_start3A = arith.constant 0 : i32
      %dma_start3A_38 = arith.constant 0 : i32
      %dma_start3A_39 = tpu.memref_slice %arg12[%dma_start3A, %dma_start3A_38] : memref<4x128xi32, #tpu.memory_space<vmem>> -> memref<1x128xi32, #tpu.memory_space<vmem>>
      %dma_start3A_40 = tpu.memref_squeeze %dma_start3A_39 : memref<1x128xi32, #tpu.memory_space<vmem>> -> memref<128xi32, #tpu.memory_space<vmem>>
      %dma_start3A_41 = arith.constant 0 : i32
      %dma_start3A_42 = arith.constant 0 : i32
      %dma_start3A_43 = tpu.memref_slice %arg9[%dma_start3A_41, %dma_start3A_42] : memref<10240x64xf32, #tpu.memory_space<vmem_shared>> -> memref<10240x64xf32, #tpu.memory_space<vmem_shared>>
      tpu.enqueue_indirect_dma source(%dma_start3A_43 : memref<10240x64xf32, #tpu.memory_space<vmem_shared>>) target(%arg14 : memref<128x64xf32, #tpu.memory_space<vmem>>) offsets(%dma_start3A_40 : memref<128xi32, #tpu.memory_space<vmem>>) semaphore(%arg21 : memref<!tpu.dma_semaphore, #tpu.memory_space<semaphore_mem>>)
      %dma_start3A_44 = arith.constant 1 : i32
      %dma_start3A_45 = arith.constant 0 : i32
      %dma_start3A_46 = tpu.memref_slice %arg12[%dma_start3A_44, %dma_start3A_45] : memref<4x128xi32, #tpu.memory_space<vmem>> -> memref<1x128xi32, #tpu.memory_space<vmem>>
      %dma_start3A_47 = tpu.memref_squeeze %dma_start3A_46 : memref<1x128xi32, #tpu.memory_space<vmem>> -> memref<128xi32, #tpu.memory_space<vmem>>
      %dma_start3A_48 = arith.constant 0 : i32
      %dma_start3A_49 = arith.constant 0 : i32
      %dma_start3A_50 = tpu.memref_slice %arg9[%dma_start3A_48, %dma_start3A_49] : memref<10240x64xf32, #tpu.memory_space<vmem_shared>> -> memref<10240x64xf32, #tpu.memory_space<vmem_shared>>
      tpu.enqueue_indirect_dma source(%dma_start3A_50 : memref<10240x64xf32, #tpu.memory_space<vmem_shared>>) target(%arg15 : memref<128x64xf32, #tpu.memory_space<vmem>>) offsets(%dma_start3A_47 : memref<128xi32, #tpu.memory_space<vmem>>) semaphore(%arg22 : memref<!tpu.dma_semaphore, #tpu.memory_space<semaphore_mem>>)
      %dma_start3A_51 = arith.constant 0 : i32
      %dma_start3A_52 = arith.constant 0 : i32
      %dma_start3A_53 = tpu.memref_slice %arg13[%dma_start3A_51, %dma_start3A_52] : memref<4x128xi32, #tpu.memory_space<vmem>> -> memref<1x128xi32, #tpu.memory_space<vmem>>
      %dma_start3A_54 = tpu.memref_squeeze %dma_start3A_53 : memref<1x128xi32, #tpu.memory_space<vmem>> -> memref<128xi32, #tpu.memory_space<vmem>>
      %dma_start3A_55 = arith.constant 0 : i32
      %dma_start3A_56 = arith.constant 0 : i32
      %dma_start3A_57 = tpu.memref_slice %arg11[%dma_start3A_55, %dma_start3A_56] : memref<10240x16xf32, #tpu.memory_space<vmem_shared>> -> memref<10240x16xf32, #tpu.memory_space<vmem_shared>>
      tpu.enqueue_indirect_dma source(%arg18 : memref<128x16xf32, #tpu.memory_space<vmem>>) target(%dma_start3A_57 : memref<10240x16xf32, #tpu.memory_space<vmem_shared>>) offsets(%dma_start3A_54 : memref<128xi32, #tpu.memory_space<vmem>>) semaphore(%arg29 : memref<!tpu.dma_semaphore, #tpu.memory_space<semaphore_mem>>) {add = true}
      %dma_start3A_58 = arith.constant 1 : i32
      %dma_start3A_59 = arith.constant 0 : i32
      %dma_start3A_60 = tpu.memref_slice %arg13[%dma_start3A_58, %dma_start3A_59] : memref<4x128xi32, #tpu.memory_space<vmem>> -> memref<1x128xi32, #tpu.memory_space<vmem>>
      %dma_start3A_61 = tpu.memref_squeeze %dma_start3A_60 : memref<1x128xi32, #tpu.memory_space<vmem>> -> memref<128xi32, #tpu.memory_space<vmem>>
      %dma_start3A_62 = arith.constant 0 : i32
      %dma_start3A_63 = arith.constant 0 : i32
      %dma_start3A_64 = tpu.memref_slice %arg11[%dma_start3A_62, %dma_start3A_63] : memref<10240x16xf32, #tpu.memory_space<vmem_shared>> -> memref<10240x16xf32, #tpu.memory_space<vmem_shared>>
      tpu.enqueue_indirect_dma source(%arg18 : memref<128x16xf32, #tpu.memory_space<vmem>>) target(%dma_start3A_64 : memref<10240x16xf32, #tpu.memory_space<vmem_shared>>) offsets(%dma_start3A_61 : memref<128xi32, #tpu.memory_space<vmem>>) semaphore(%arg30 : memref<!tpu.dma_semaphore, #tpu.memory_space<semaphore_mem>>) {add = true}
      %dma_start3A_65 = arith.constant 2 : i32
      %dma_start3A_66 = arith.constant 0 : i32
      %dma_start3A_67 = tpu.memref_slice %arg13[%dma_start3A_65, %dma_start3A_66] : memref<4x128xi32, #tpu.memory_space<vmem>> -> memref<1x128xi32, #tpu.memory_space<vmem>>
      %dma_start3A_68 = tpu.memref_squeeze %dma_start3A_67 : memref<1x128xi32, #tpu.memory_space<vmem>> -> memref<128xi32, #tpu.memory_space<vmem>>
      %dma_start3A_69 = arith.constant 0 : i32
      %dma_start3A_70 = arith.constant 0 : i32
      %dma_start3A_71 = tpu.memref_slice %arg11[%dma_start3A_69, %dma_start3A_70] : memref<10240x16xf32, #tpu.memory_space<vmem_shared>> -> memref<10240x16xf32, #tpu.memory_space<vmem_shared>>
      tpu.enqueue_indirect_dma source(%arg18 : memref<128x16xf32, #tpu.memory_space<vmem>>) target(%dma_start3A_71 : memref<10240x16xf32, #tpu.memory_space<vmem_shared>>) offsets(%dma_start3A_68 : memref<128xi32, #tpu.memory_space<vmem>>) semaphore(%arg31 : memref<!tpu.dma_semaphore, #tpu.memory_space<semaphore_mem>>) {add = true}
      %dma_start3A_72 = arith.constant 3 : i32
      %dma_start3A_73 = arith.constant 0 : i32
      %dma_start3A_74 = tpu.memref_slice %arg13[%dma_start3A_72, %dma_start3A_73] : memref<4x128xi32, #tpu.memory_space<vmem>> -> memref<1x128xi32, #tpu.memory_space<vmem>>
      %dma_start3A_75 = tpu.memref_squeeze %dma_start3A_74 : memref<1x128xi32, #tpu.memory_space<vmem>> -> memref<128xi32, #tpu.memory_space<vmem>>
      %dma_start3A_76 = arith.constant 0 : i32
      %dma_start3A_77 = arith.constant 0 : i32
      %dma_start3A_78 = tpu.memref_slice %arg11[%dma_start3A_76, %dma_start3A_77] : memref<10240x16xf32, #tpu.memory_space<vmem_shared>> -> memref<10240x16xf32, #tpu.memory_space<vmem_shared>>
      tpu.enqueue_indirect_dma source(%arg18 : memref<128x16xf32, #tpu.memory_space<vmem>>) target(%dma_start3A_78 : memref<10240x16xf32, #tpu.memory_space<vmem_shared>>) offsets(%dma_start3A_75 : memref<128xi32, #tpu.memory_space<vmem>>) semaphore(%arg32 : memref<!tpu.dma_semaphore, #tpu.memory_space<semaphore_mem>>) {add = true}
      %dma_wait3A = arith.constant 0 : i32
      %dma_wait3A_79 = arith.constant 0 : i32
      %dma_wait3A_80 = tpu.memref_slice %arg12[%dma_wait3A, %dma_wait3A_79] : memref<4x128xi32, #tpu.memory_space<vmem>> -> memref<1x128xi32, #tpu.memory_space<vmem>>
      %dma_wait3A_81 = tpu.memref_squeeze %dma_wait3A_80 : memref<1x128xi32, #tpu.memory_space<vmem>> -> memref<128xi32, #tpu.memory_space<vmem>>
      %dma_wait3A_82 = arith.constant 0 : i32
      %dma_wait3A_83 = arith.constant 0 : i32
      %dma_wait3A_84 = tpu.memref_slice %arg9[%dma_wait3A_82, %dma_wait3A_83] : memref<10240x64xf32, #tpu.memory_space<vmem_shared>> -> memref<10240x64xf32, #tpu.memory_space<vmem_shared>>
      tpu.wait_indirect_dma semaphore(%arg21 : memref<!tpu.dma_semaphore, #tpu.memory_space<semaphore_mem>>) src(%dma_wait3A_84 : memref<10240x64xf32, #tpu.memory_space<vmem_shared>>) dst(%arg14 : memref<128x64xf32, #tpu.memory_space<vmem>>)
      %dma_start3A_85 = arith.constant 0 : i32
      %dma_start3A_86 = arith.constant 0 : i32
      %dma_start3A_87 = tpu.memref_slice %arg13[%dma_start3A_85, %dma_start3A_86] : memref<4x128xi32, #tpu.memory_space<vmem>> -> memref<1x128xi32, #tpu.memory_space<vmem>>
      %dma_start3A_88 = tpu.memref_squeeze %dma_start3A_87 : memref<1x128xi32, #tpu.memory_space<vmem>> -> memref<128xi32, #tpu.memory_space<vmem>>
      %dma_start3A_89 = arith.constant 0 : i32
      %dma_start3A_90 = arith.constant 0 : i32
      %dma_start3A_91 = tpu.memref_slice %arg10[%dma_start3A_89, %dma_start3A_90] : memref<10240x64xf32, #tpu.memory_space<vmem_shared>> -> memref<10240x64xf32, #tpu.memory_space<vmem_shared>>
      tpu.enqueue_indirect_dma source(%arg14 : memref<128x64xf32, #tpu.memory_space<vmem>>) target(%dma_start3A_91 : memref<10240x64xf32, #tpu.memory_space<vmem_shared>>) offsets(%dma_start3A_88 : memref<128xi32, #tpu.memory_space<vmem>>) semaphore(%arg25 : memref<!tpu.dma_semaphore, #tpu.memory_space<semaphore_mem>>) {add = true}
      %dma_wait3A_92 = arith.constant 1 : i32
      %dma_wait3A_93 = arith.constant 0 : i32
      %dma_wait3A_94 = tpu.memref_slice %arg12[%dma_wait3A_92, %dma_wait3A_93] : memref<4x128xi32, #tpu.memory_space<vmem>> -> memref<1x128xi32, #tpu.memory_space<vmem>>
      %dma_wait3A_95 = tpu.memref_squeeze %dma_wait3A_94 : memref<1x128xi32, #tpu.memory_space<vmem>> -> memref<128xi32, #tpu.memory_space<vmem>>
      %dma_wait3A_96 = arith.constant 0 : i32
      %dma_wait3A_97 = arith.constant 0 : i32
      %dma_wait3A_98 = tpu.memref_slice %arg9[%dma_wait3A_96, %dma_wait3A_97] : memref<10240x64xf32, #tpu.memory_space<vmem_shared>> -> memref<10240x64xf32, #tpu.memory_space<vmem_shared>>
      tpu.wait_indirect_dma semaphore(%arg22 : memref<!tpu.dma_semaphore, #tpu.memory_space<semaphore_mem>>) src(%dma_wait3A_98 : memref<10240x64xf32, #tpu.memory_space<vmem_shared>>) dst(%arg15 : memref<128x64xf32, #tpu.memory_space<vmem>>)
      %dma_start3A_99 = arith.constant 1 : i32
      %dma_start3A_100 = arith.constant 0 : i32
      %dma_start3A_101 = tpu.memref_slice %arg13[%dma_start3A_99, %dma_start3A_100] : memref<4x128xi32, #tpu.memory_space<vmem>> -> memref<1x128xi32, #tpu.memory_space<vmem>>
      %dma_start3A_102 = tpu.memref_squeeze %dma_start3A_101 : memref<1x128xi32, #tpu.memory_space<vmem>> -> memref<128xi32, #tpu.memory_space<vmem>>
      %dma_start3A_103 = arith.constant 0 : i32
      %dma_start3A_104 = arith.constant 0 : i32
      %dma_start3A_105 = tpu.memref_slice %arg10[%dma_start3A_103, %dma_start3A_104] : memref<10240x64xf32, #tpu.memory_space<vmem_shared>> -> memref<10240x64xf32, #tpu.memory_space<vmem_shared>>
      tpu.enqueue_indirect_dma source(%arg15 : memref<128x64xf32, #tpu.memory_space<vmem>>) target(%dma_start3A_105 : memref<10240x64xf32, #tpu.memory_space<vmem_shared>>) offsets(%dma_start3A_102 : memref<128xi32, #tpu.memory_space<vmem>>) semaphore(%arg26 : memref<!tpu.dma_semaphore, #tpu.memory_space<semaphore_mem>>) {add = true}
      %dma_start3A_106 = arith.constant 2 : i32
      %dma_start3A_107 = arith.constant 0 : i32
      %dma_start3A_108 = tpu.memref_slice %arg12[%dma_start3A_106, %dma_start3A_107] : memref<4x128xi32, #tpu.memory_space<vmem>> -> memref<1x128xi32, #tpu.memory_space<vmem>>
      %dma_start3A_109 = tpu.memref_squeeze %dma_start3A_108 : memref<1x128xi32, #tpu.memory_space<vmem>> -> memref<128xi32, #tpu.memory_space<vmem>>
      %dma_start3A_110 = arith.constant 0 : i32
      %dma_start3A_111 = arith.constant 0 : i32
      %dma_start3A_112 = tpu.memref_slice %arg9[%dma_start3A_110, %dma_start3A_111] : memref<10240x64xf32, #tpu.memory_space<vmem_shared>> -> memref<10240x64xf32, #tpu.memory_space<vmem_shared>>
      tpu.enqueue_indirect_dma source(%dma_start3A_112 : memref<10240x64xf32, #tpu.memory_space<vmem_shared>>) target(%arg16 : memref<128x64xf32, #tpu.memory_space<vmem>>) offsets(%dma_start3A_109 : memref<128xi32, #tpu.memory_space<vmem>>) semaphore(%arg23 : memref<!tpu.dma_semaphore, #tpu.memory_space<semaphore_mem>>)
      %dma_start3A_113 = arith.constant 3 : i32
      %dma_start3A_114 = arith.constant 0 : i32
      %dma_start3A_115 = tpu.memref_slice %arg12[%dma_start3A_113, %dma_start3A_114] : memref<4x128xi32, #tpu.memory_space<vmem>> -> memref<1x128xi32, #tpu.memory_space<vmem>>
      %dma_start3A_116 = tpu.memref_squeeze %dma_start3A_115 : memref<1x128xi32, #tpu.memory_space<vmem>> -> memref<128xi32, #tpu.memory_space<vmem>>
      %dma_start3A_117 = arith.constant 0 : i32
      %dma_start3A_118 = arith.constant 0 : i32
      %dma_start3A_119 = tpu.memref_slice %arg9[%dma_start3A_117, %dma_start3A_118] : memref<10240x64xf32, #tpu.memory_space<vmem_shared>> -> memref<10240x64xf32, #tpu.memory_space<vmem_shared>>
      tpu.enqueue_indirect_dma source(%dma_start3A_119 : memref<10240x64xf32, #tpu.memory_space<vmem_shared>>) target(%arg17 : memref<128x64xf32, #tpu.memory_space<vmem>>) offsets(%dma_start3A_116 : memref<128xi32, #tpu.memory_space<vmem>>) semaphore(%arg24 : memref<!tpu.dma_semaphore, #tpu.memory_space<semaphore_mem>>)
      %dma_wait3A_120 = arith.constant 0 : i32
      %dma_wait3A_121 = arith.constant 0 : i32
      %dma_wait3A_122 = tpu.memref_slice %arg13[%dma_wait3A_120, %dma_wait3A_121] : memref<4x128xi32, #tpu.memory_space<vmem>> -> memref<1x128xi32, #tpu.memory_space<vmem>>
      %dma_wait3A_123 = tpu.memref_squeeze %dma_wait3A_122 : memref<1x128xi32, #tpu.memory_space<vmem>> -> memref<128xi32, #tpu.memory_space<vmem>>
      %dma_wait3A_124 = arith.constant 0 : i32
      %dma_wait3A_125 = arith.constant 0 : i32
      %dma_wait3A_126 = tpu.memref_slice %arg10[%dma_wait3A_124, %dma_wait3A_125] : memref<10240x64xf32, #tpu.memory_space<vmem_shared>> -> memref<10240x64xf32, #tpu.memory_space<vmem_shared>>
      tpu.wait_indirect_dma semaphore(%arg25 : memref<!tpu.dma_semaphore, #tpu.memory_space<semaphore_mem>>) src(%arg14 : memref<128x64xf32, #tpu.memory_space<vmem>>) dst(%dma_wait3A_126 : memref<10240x64xf32, #tpu.memory_space<vmem_shared>>)
      %dma_wait3A_127 = arith.constant 1 : i32
      %dma_wait3A_128 = arith.constant 0 : i32
      %dma_wait3A_129 = tpu.memref_slice %arg13[%dma_wait3A_127, %dma_wait3A_128] : memref<4x128xi32, #tpu.memory_space<vmem>> -> memref<1x128xi32, #tpu.memory_space<vmem>>
      %dma_wait3A_130 = tpu.memref_squeeze %dma_wait3A_129 : memref<1x128xi32, #tpu.memory_space<vmem>> -> memref<128xi32, #tpu.memory_space<vmem>>
      %dma_wait3A_131 = arith.constant 0 : i32
      %dma_wait3A_132 = arith.constant 0 : i32
      %dma_wait3A_133 = tpu.memref_slice %arg10[%dma_wait3A_131, %dma_wait3A_132] : memref<10240x64xf32, #tpu.memory_space<vmem_shared>> -> memref<10240x64xf32, #tpu.memory_space<vmem_shared>>
      tpu.wait_indirect_dma semaphore(%arg26 : memref<!tpu.dma_semaphore, #tpu.memory_space<semaphore_mem>>) src(%arg15 : memref<128x64xf32, #tpu.memory_space<vmem>>) dst(%dma_wait3A_133 : memref<10240x64xf32, #tpu.memory_space<vmem_shared>>)
      %dma_wait3A_134 = arith.constant 2 : i32
      %dma_wait3A_135 = arith.constant 0 : i32
      %dma_wait3A_136 = tpu.memref_slice %arg12[%dma_wait3A_134, %dma_wait3A_135] : memref<4x128xi32, #tpu.memory_space<vmem>> -> memref<1x128xi32, #tpu.memory_space<vmem>>
      %dma_wait3A_137 = tpu.memref_squeeze %dma_wait3A_136 : memref<1x128xi32, #tpu.memory_space<vmem>> -> memref<128xi32, #tpu.memory_space<vmem>>
      %dma_wait3A_138 = arith.constant 0 : i32
      %dma_wait3A_139 = arith.constant 0 : i32
      %dma_wait3A_140 = tpu.memref_slice %arg9[%dma_wait3A_138, %dma_wait3A_139] : memref<10240x64xf32, #tpu.memory_space<vmem_shared>> -> memref<10240x64xf32, #tpu.memory_space<vmem_shared>>
      tpu.wait_indirect_dma semaphore(%arg23 : memref<!tpu.dma_semaphore, #tpu.memory_space<semaphore_mem>>) src(%dma_wait3A_140 : memref<10240x64xf32, #tpu.memory_space<vmem_shared>>) dst(%arg16 : memref<128x64xf32, #tpu.memory_space<vmem>>)
      %dma_start3A_141 = arith.constant 2 : i32
      %dma_start3A_142 = arith.constant 0 : i32
      %dma_start3A_143 = tpu.memref_slice %arg13[%dma_start3A_141, %dma_start3A_142] : memref<4x128xi32, #tpu.memory_space<vmem>> -> memref<1x128xi32, #tpu.memory_space<vmem>>
      %dma_start3A_144 = tpu.memref_squeeze %dma_start3A_143 : memref<1x128xi32, #tpu.memory_space<vmem>> -> memref<128xi32, #tpu.memory_space<vmem>>
      %dma_start3A_145 = arith.constant 0 : i32
      %dma_start3A_146 = arith.constant 0 : i32
      %dma_start3A_147 = tpu.memref_slice %arg10[%dma_start3A_145, %dma_start3A_146] : memref<10240x64xf32, #tpu.memory_space<vmem_shared>> -> memref<10240x64xf32, #tpu.memory_space<vmem_shared>>
      tpu.enqueue_indirect_dma source(%arg16 : memref<128x64xf32, #tpu.memory_space<vmem>>) target(%dma_start3A_147 : memref<10240x64xf32, #tpu.memory_space<vmem_shared>>) offsets(%dma_start3A_144 : memref<128xi32, #tpu.memory_space<vmem>>) semaphore(%arg27 : memref<!tpu.dma_semaphore, #tpu.memory_space<semaphore_mem>>) {add = true}
      %dma_wait3A_148 = arith.constant 3 : i32
      %dma_wait3A_149 = arith.constant 0 : i32
      %dma_wait3A_150 = tpu.memref_slice %arg12[%dma_wait3A_148, %dma_wait3A_149] : memref<4x128xi32, #tpu.memory_space<vmem>> -> memref<1x128xi32, #tpu.memory_space<vmem>>
      %dma_wait3A_151 = tpu.memref_squeeze %dma_wait3A_150 : memref<1x128xi32, #tpu.memory_space<vmem>> -> memref<128xi32, #tpu.memory_space<vmem>>
      %dma_wait3A_152 = arith.constant 0 : i32
      %dma_wait3A_153 = arith.constant 0 : i32
      %dma_wait3A_154 = tpu.memref_slice %arg9[%dma_wait3A_152, %dma_wait3A_153] : memref<10240x64xf32, #tpu.memory_space<vmem_shared>> -> memref<10240x64xf32, #tpu.memory_space<vmem_shared>>
      tpu.wait_indirect_dma semaphore(%arg24 : memref<!tpu.dma_semaphore, #tpu.memory_space<semaphore_mem>>) src(%dma_wait3A_154 : memref<10240x64xf32, #tpu.memory_space<vmem_shared>>) dst(%arg17 : memref<128x64xf32, #tpu.memory_space<vmem>>)
      %dma_start3A_155 = arith.constant 3 : i32
      %dma_start3A_156 = arith.constant 0 : i32
      %dma_start3A_157 = tpu.memref_slice %arg13[%dma_start3A_155, %dma_start3A_156] : memref<4x128xi32, #tpu.memory_space<vmem>> -> memref<1x128xi32, #tpu.memory_space<vmem>>
      %dma_start3A_158 = tpu.memref_squeeze %dma_start3A_157 : memref<1x128xi32, #tpu.memory_space<vmem>> -> memref<128xi32, #tpu.memory_space<vmem>>
      %dma_start3A_159 = arith.constant 0 : i32
      %dma_start3A_160 = arith.constant 0 : i32
      %dma_start3A_161 = tpu.memref_slice %arg10[%dma_start3A_159, %dma_start3A_160] : memref<10240x64xf32, #tpu.memory_space<vmem_shared>> -> memref<10240x64xf32, #tpu.memory_space<vmem_shared>>
      tpu.enqueue_indirect_dma source(%arg17 : memref<128x64xf32, #tpu.memory_space<vmem>>) target(%dma_start3A_161 : memref<10240x64xf32, #tpu.memory_space<vmem_shared>>) offsets(%dma_start3A_158 : memref<128xi32, #tpu.memory_space<vmem>>) semaphore(%arg28 : memref<!tpu.dma_semaphore, #tpu.memory_space<semaphore_mem>>) {add = true}
      %dma_wait3A_162 = arith.constant 0 : i32
      %dma_wait3A_163 = arith.constant 0 : i32
      %dma_wait3A_164 = tpu.memref_slice %arg13[%dma_wait3A_162, %dma_wait3A_163] : memref<4x128xi32, #tpu.memory_space<vmem>> -> memref<1x128xi32, #tpu.memory_space<vmem>>
      %dma_wait3A_165 = tpu.memref_squeeze %dma_wait3A_164 : memref<1x128xi32, #tpu.memory_space<vmem>> -> memref<128xi32, #tpu.memory_space<vmem>>
      %dma_wait3A_166 = arith.constant 0 : i32
      %dma_wait3A_167 = arith.constant 0 : i32
      %dma_wait3A_168 = tpu.memref_slice %arg11[%dma_wait3A_166, %dma_wait3A_167] : memref<10240x16xf32, #tpu.memory_space<vmem_shared>> -> memref<10240x16xf32, #tpu.memory_space<vmem_shared>>
      tpu.wait_indirect_dma semaphore(%arg29 : memref<!tpu.dma_semaphore, #tpu.memory_space<semaphore_mem>>) src(%arg18 : memref<128x16xf32, #tpu.memory_space<vmem>>) dst(%dma_wait3A_168 : memref<10240x16xf32, #tpu.memory_space<vmem_shared>>)
      %dma_wait3A_169 = arith.constant 1 : i32
      %dma_wait3A_170 = arith.constant 0 : i32
      %dma_wait3A_171 = tpu.memref_slice %arg13[%dma_wait3A_169, %dma_wait3A_170] : memref<4x128xi32, #tpu.memory_space<vmem>> -> memref<1x128xi32, #tpu.memory_space<vmem>>
      %dma_wait3A_172 = tpu.memref_squeeze %dma_wait3A_171 : memref<1x128xi32, #tpu.memory_space<vmem>> -> memref<128xi32, #tpu.memory_space<vmem>>
      %dma_wait3A_173 = arith.constant 0 : i32
      %dma_wait3A_174 = arith.constant 0 : i32
      %dma_wait3A_175 = tpu.memref_slice %arg11[%dma_wait3A_173, %dma_wait3A_174] : memref<10240x16xf32, #tpu.memory_space<vmem_shared>> -> memref<10240x16xf32, #tpu.memory_space<vmem_shared>>
      tpu.wait_indirect_dma semaphore(%arg30 : memref<!tpu.dma_semaphore, #tpu.memory_space<semaphore_mem>>) src(%arg18 : memref<128x16xf32, #tpu.memory_space<vmem>>) dst(%dma_wait3A_175 : memref<10240x16xf32, #tpu.memory_space<vmem_shared>>)
      %dma_wait3A_176 = arith.constant 2 : i32
      %dma_wait3A_177 = arith.constant 0 : i32
      %dma_wait3A_178 = tpu.memref_slice %arg13[%dma_wait3A_176, %dma_wait3A_177] : memref<4x128xi32, #tpu.memory_space<vmem>> -> memref<1x128xi32, #tpu.memory_space<vmem>>
      %dma_wait3A_179 = tpu.memref_squeeze %dma_wait3A_178 : memref<1x128xi32, #tpu.memory_space<vmem>> -> memref<128xi32, #tpu.memory_space<vmem>>
      %dma_wait3A_180 = arith.constant 0 : i32
      %dma_wait3A_181 = arith.constant 0 : i32
      %dma_wait3A_182 = tpu.memref_slice %arg11[%dma_wait3A_180, %dma_wait3A_181] : memref<10240x16xf32, #tpu.memory_space<vmem_shared>> -> memref<10240x16xf32, #tpu.memory_space<vmem_shared>>
      tpu.wait_indirect_dma semaphore(%arg31 : memref<!tpu.dma_semaphore, #tpu.memory_space<semaphore_mem>>) src(%arg18 : memref<128x16xf32, #tpu.memory_space<vmem>>) dst(%dma_wait3A_182 : memref<10240x16xf32, #tpu.memory_space<vmem_shared>>)
      %dma_wait3A_183 = arith.constant 3 : i32
      %dma_wait3A_184 = arith.constant 0 : i32
      %dma_wait3A_185 = tpu.memref_slice %arg13[%dma_wait3A_183, %dma_wait3A_184] : memref<4x128xi32, #tpu.memory_space<vmem>> -> memref<1x128xi32, #tpu.memory_space<vmem>>
      %dma_wait3A_186 = tpu.memref_squeeze %dma_wait3A_185 : memref<1x128xi32, #tpu.memory_space<vmem>> -> memref<128xi32, #tpu.memory_space<vmem>>
      %dma_wait3A_187 = arith.constant 0 : i32
      %dma_wait3A_188 = arith.constant 0 : i32
      %dma_wait3A_189 = tpu.memref_slice %arg11[%dma_wait3A_187, %dma_wait3A_188] : memref<10240x16xf32, #tpu.memory_space<vmem_shared>> -> memref<10240x16xf32, #tpu.memory_space<vmem_shared>>
      tpu.wait_indirect_dma semaphore(%arg32 : memref<!tpu.dma_semaphore, #tpu.memory_space<semaphore_mem>>) src(%arg18 : memref<128x16xf32, #tpu.memory_space<vmem>>) dst(%dma_wait3A_189 : memref<10240x16xf32, #tpu.memory_space<vmem_shared>>)
      %dma_wait3A_190 = arith.constant 2 : i32
      %dma_wait3A_191 = arith.constant 0 : i32
      %dma_wait3A_192 = tpu.memref_slice %arg13[%dma_wait3A_190, %dma_wait3A_191] : memref<4x128xi32, #tpu.memory_space<vmem>> -> memref<1x128xi32, #tpu.memory_space<vmem>>
      %dma_wait3A_193 = tpu.memref_squeeze %dma_wait3A_192 : memref<1x128xi32, #tpu.memory_space<vmem>> -> memref<128xi32, #tpu.memory_space<vmem>>
      %dma_wait3A_194 = arith.constant 0 : i32
      %dma_wait3A_195 = arith.constant 0 : i32
      %dma_wait3A_196 = tpu.memref_slice %arg10[%dma_wait3A_194, %dma_wait3A_195] : memref<10240x64xf32, #tpu.memory_space<vmem_shared>> -> memref<10240x64xf32, #tpu.memory_space<vmem_shared>>
      tpu.wait_indirect_dma semaphore(%arg27 : memref<!tpu.dma_semaphore, #tpu.memory_space<semaphore_mem>>) src(%arg16 : memref<128x64xf32, #tpu.memory_space<vmem>>) dst(%dma_wait3A_196 : memref<10240x64xf32, #tpu.memory_space<vmem_shared>>)
      %dma_wait3A_197 = arith.constant 3 : i32
      %dma_wait3A_198 = arith.constant 0 : i32
      %dma_wait3A_199 = tpu.memref_slice %arg13[%dma_wait3A_197, %dma_wait3A_198] : memref<4x128xi32, #tpu.memory_space<vmem>> -> memref<1x128xi32, #tpu.memory_space<vmem>>
      %dma_wait3A_200 = tpu.memref_squeeze %dma_wait3A_199 : memref<1x128xi32, #tpu.memory_space<vmem>> -> memref<128xi32, #tpu.memory_space<vmem>>
      %dma_wait3A_201 = arith.constant 0 : i32
      %dma_wait3A_202 = arith.constant 0 : i32
      %dma_wait3A_203 = tpu.memref_slice %arg10[%dma_wait3A_201, %dma_wait3A_202] : memref<10240x64xf32, #tpu.memory_space<vmem_shared>> -> memref<10240x64xf32, #tpu.memory_space<vmem_shared>>
      tpu.wait_indirect_dma semaphore(%arg28 : memref<!tpu.dma_semaphore, #tpu.memory_space<semaphore_mem>>) src(%arg17 : memref<128x64xf32, #tpu.memory_space<vmem>>) dst(%dma_wait3A_203 : memref<10240x64xf32, #tpu.memory_space<vmem_shared>>)
    }
    %scan3A_9 = arith.constant 40 : i32
    %barrier3A_10 = arith.constant 0 : index
    tpu.barrier barrier_id(%barrier3A_10)
    %scan3A_11 = arith.constant 0 : i32
    %scan3A_12 = arith.constant 0 : i32
    %scan3A_13 = arith.constant 20 : i32
    %scan3A_14 = arith.addi %scan3A_12, %scan3A_13 : i32
    %scan3A_15 = arith.constant 1 : i32
    scf.for %scan3A_34 = %scan3A_12 to %scan3A_14 step %scan3A_15  : i32 {
      %mul3A_35 = arith.constant 32 : i32
      %mul3A_36 = arith.muli %scan3A_34, %mul3A_35 : i32
      %add3A_37 = arith.addi %mul3A_0, %mul3A_36 : i32
      "tpu.region"() ({
        %run_scoped3A = tpu.sem_alloc : memref<!tpu.dma_semaphore, #tpu.memory_space<semaphore_mem>>
        %dma_start3A = arith.constant 0 : i32
        %dma_start3A_47 = tpu.memref_slice %arg10[%add3A_37, %dma_start3A] : memref<10240x64xf32, #tpu.memory_space<vmem_shared>> -> memref<32x64xf32, #tpu.memory_space<vmem_shared>>
        %dma_start3A_48 = arith.constant 0 : i32
        %dma_start3A_49 = tpu.memref_slice %arg10[%add3A_37, %dma_start3A_48] : memref<10240x64xf32, #tpu.memory_space<vmem_shared>> -> memref<32x64xf32, #tpu.memory_space<vmem_shared>>
        tpu.enqueue_dma source(%dma_start3A_49 : memref<32x64xf32, #tpu.memory_space<vmem_shared>>) target(%arg20 : memref<32x64xf32, #tpu.memory_space<vmem>>) target_semaphore(%run_scoped3A : memref<!tpu.dma_semaphore, #tpu.memory_space<semaphore_mem>>)
        %dma_wait3A = arith.constant 0 : i32
        %dma_wait3A_50 = tpu.memref_slice %arg10[%add3A_37, %dma_wait3A] : memref<10240x64xf32, #tpu.memory_space<vmem_shared>> -> memref<32x64xf32, #tpu.memory_space<vmem_shared>>
        %dma_wait3A_51 = arith.constant 0 : i32
        %dma_wait3A_52 = tpu.memref_slice %arg10[%add3A_37, %dma_wait3A_51] : memref<10240x64xf32, #tpu.memory_space<vmem_shared>> -> memref<32x64xf32, #tpu.memory_space<vmem_shared>>
        tpu.wait_dma2 semaphore(%run_scoped3A : memref<!tpu.dma_semaphore, #tpu.memory_space<semaphore_mem>>) src(%dma_wait3A_52 : memref<32x64xf32, #tpu.memory_space<vmem_shared>>) dst(%arg20 : memref<32x64xf32, #tpu.memory_space<vmem>>)
        tpu.yield
      }) : () -> ()
      "tpu.region"() ({
        %run_scoped3A = tpu.sem_alloc : memref<!tpu.dma_semaphore, #tpu.memory_space<semaphore_mem>>
        %dma_start3A = arith.constant 0 : i32
        %dma_start3A_47 = tpu.memref_slice %arg11[%add3A_37, %dma_start3A] : memref<10240x16xf32, #tpu.memory_space<vmem_shared>> -> memref<32x16xf32, #tpu.memory_space<vmem_shared>>
        %dma_start3A_48 = arith.constant 0 : i32
        %dma_start3A_49 = tpu.memref_slice %arg11[%add3A_37, %dma_start3A_48] : memref<10240x16xf32, #tpu.memory_space<vmem_shared>> -> memref<32x16xf32, #tpu.memory_space<vmem_shared>>
        tpu.enqueue_dma source(%dma_start3A_49 : memref<32x16xf32, #tpu.memory_space<vmem_shared>>) target(%arg19 : memref<32x16xf32, #tpu.memory_space<vmem>>) target_semaphore(%run_scoped3A : memref<!tpu.dma_semaphore, #tpu.memory_space<semaphore_mem>>)
        %dma_wait3A = arith.constant 0 : i32
        %dma_wait3A_50 = tpu.memref_slice %arg11[%add3A_37, %dma_wait3A] : memref<10240x16xf32, #tpu.memory_space<vmem_shared>> -> memref<32x16xf32, #tpu.memory_space<vmem_shared>>
        %dma_wait3A_51 = arith.constant 0 : i32
        %dma_wait3A_52 = tpu.memref_slice %arg11[%add3A_37, %dma_wait3A_51] : memref<10240x16xf32, #tpu.memory_space<vmem_shared>> -> memref<32x16xf32, #tpu.memory_space<vmem_shared>>
        tpu.wait_dma2 semaphore(%run_scoped3A : memref<!tpu.dma_semaphore, #tpu.memory_space<semaphore_mem>>) src(%dma_wait3A_52 : memref<32x16xf32, #tpu.memory_space<vmem_shared>>) dst(%arg19 : memref<32x16xf32, #tpu.memory_space<vmem>>)
        tpu.yield
      }) : () -> ()
      %scan3A_38 = arith.constant 0 : i32
      %scan3A_39 = arith.constant 0 : i32
      %scan3A_40 = arith.constant 32 : i32
      %scan3A_41 = arith.addi %scan3A_39, %scan3A_40 : i32
      %scan3A_42 = arith.constant 1 : i32
      scf.for %scan3A_47 = %scan3A_39 to %scan3A_41 step %scan3A_42  : i32 {
        %get3A = arith.index_cast %scan3A_47 : i32 to index
        %get3A_48 = arith.constant 0 : index
        %get3A_49 = tpu.vector_load %arg19[%get3A, %get3A_48] {strides = array<i32>} : memref<32x16xf32, #tpu.memory_space<vmem>>, vector<1x16xf32>,
        %get3A_50 = vector.shape_cast %get3A_49 : vector<1x16xf32> to vector<16xf32>
        %max3A = arith.constant 1.000000e+00 : f32
        %max3A_51 = vector.broadcast %max3A : f32 to vector<16xf32>
        %max3A_52 = arith.maximumf %get3A_50, %max3A_51 : vector<16xf32>
        %div3A = arith.constant 1.000000e+00 : f32
        %div3A_53 = vector.broadcast %div3A : f32 to vector<16xf32>
        %div3A_54 = arith.divf %div3A_53, %max3A_52 : vector<16xf32>
        %get3A_55 = arith.index_cast %scan3A_47 : i32 to index
        %get3A_56 = arith.constant 0 : index
        %get3A_57 = tpu.vector_load %arg20[%get3A_55, %get3A_56] {strides = array<i32>} : memref<32x64xf32, #tpu.memory_space<vmem>>, vector<1x16xf32>,
        %get3A_58 = vector.shape_cast %get3A_57 : vector<1x16xf32> to vector<16xf32>
        %mul3A_59 = arith.mulf %get3A_58, %div3A_54 : vector<16xf32>
        %swap3A = arith.index_cast %scan3A_47 : i32 to index
        %swap3A_60 = arith.constant 0 : index
        %swap3A_61 = tpu.vector_load %arg20[%swap3A, %swap3A_60] {strides = array<i32>} : memref<32x64xf32, #tpu.memory_space<vmem>>, vector<1x16xf32>,
        %swap3A_62 = vector.shape_cast %swap3A_61 : vector<1x16xf32> to vector<16xf32>
        %swap3A_63 = vector.shape_cast %mul3A_59 : vector<16xf32> to vector<1x16xf32>
        tpu.vector_store %arg20[%swap3A, %swap3A_60], %swap3A_63 {strides = array<i32>} : memref<32x64xf32, #tpu.memory_space<vmem>>, vector<1x16xf32>,
        %get3A_64 = arith.index_cast %scan3A_47 : i32 to index
        %get3A_65 = arith.constant 16 : index
        %get3A_66 = tpu.vector_load %arg20[%get3A_64, %get3A_65] {strides = array<i32>} : memref<32x64xf32, #tpu.memory_space<vmem>>, vector<1x16xf32>,
        %get3A_67 = vector.shape_cast %get3A_66 : vector<1x16xf32> to vector<16xf32>
        %mul3A_68 = arith.mulf %get3A_67, %div3A_54 : vector<16xf32>
        %swap3A_69 = arith.index_cast %scan3A_47 : i32 to index
        %swap3A_70 = arith.constant 16 : index
        %swap3A_71 = tpu.vector_load %arg20[%swap3A_69, %swap3A_70] {strides = array<i32>} : memref<32x64xf32, #tpu.memory_space<vmem>>, vector<1x16xf32>,
        %swap3A_72 = vector.shape_cast %swap3A_71 : vector<1x16xf32> to vector<16xf32>
        %swap3A_73 = vector.shape_cast %mul3A_68 : vector<16xf32> to vector<1x16xf32>
        tpu.vector_store %arg20[%swap3A_69, %swap3A_70], %swap3A_73 {strides = array<i32>} : memref<32x64xf32, #tpu.memory_space<vmem>>, vector<1x16xf32>,
        %get3A_74 = arith.index_cast %scan3A_47 : i32 to index
        %get3A_75 = arith.constant 32 : index
        %get3A_76 = tpu.vector_load %arg20[%get3A_74, %get3A_75] {strides = array<i32>} : memref<32x64xf32, #tpu.memory_space<vmem>>, vector<1x16xf32>,
        %get3A_77 = vector.shape_cast %get3A_76 : vector<1x16xf32> to vector<16xf32>
        %mul3A_78 = arith.mulf %get3A_77, %div3A_54 : vector<16xf32>
        %swap3A_79 = arith.index_cast %scan3A_47 : i32 to index
        %swap3A_80 = arith.constant 32 : index
        %swap3A_81 = tpu.vector_load %arg20[%swap3A_79, %swap3A_80] {strides = array<i32>} : memref<32x64xf32, #tpu.memory_space<vmem>>, vector<1x16xf32>,
        %swap3A_82 = vector.shape_cast %swap3A_81 : vector<1x16xf32> to vector<16xf32>
        %swap3A_83 = vector.shape_cast %mul3A_78 : vector<16xf32> to vector<1x16xf32>
        tpu.vector_store %arg20[%swap3A_79, %swap3A_80], %swap3A_83 {strides = array<i32>} : memref<32x64xf32, #tpu.memory_space<vmem>>, vector<1x16xf32>,
        %get3A_84 = arith.index_cast %scan3A_47 : i32 to index
        %get3A_85 = arith.constant 48 : index
        %get3A_86 = tpu.vector_load %arg20[%get3A_84, %get3A_85] {strides = array<i32>} : memref<32x64xf32, #tpu.memory_space<vmem>>, vector<1x16xf32>,
        %get3A_87 = vector.shape_cast %get3A_86 : vector<1x16xf32> to vector<16xf32>
        %mul3A_88 = arith.mulf %get3A_87, %div3A_54 : vector<16xf32>
        %swap3A_89 = arith.index_cast %scan3A_47 : i32 to index
        %swap3A_90 = arith.constant 48 : index
        %swap3A_91 = tpu.vector_load %arg20[%swap3A_89, %swap3A_90] {strides = array<i32>} : memref<32x64xf32, #tpu.memory_space<vmem>>, vector<1x16xf32>,
        %swap3A_92 = vector.shape_cast %swap3A_91 : vector<1x16xf32> to vector<16xf32>
        %swap3A_93 = vector.shape_cast %mul3A_88 : vector<16xf32> to vector<1x16xf32>
        tpu.vector_store %arg20[%swap3A_89, %swap3A_90], %swap3A_93 {strides = array<i32>} : memref<32x64xf32, #tpu.memory_space<vmem>>, vector<1x16xf32>,
      }
      %scan3A_43 = arith.constant 32 : i32
      %mul3A_44 = arith.constant 32 : i32
      %mul3A_45 = arith.muli %scan3A_34, %mul3A_44 : i32
      %add3A_46 = arith.addi %mul3A_0, %mul3A_45 : i32
      "tpu.region"() ({
        %run_scoped3A = tpu.sem_alloc : memref<!tpu.dma_semaphore, #tpu.memory_space<semaphore_mem>>
        %dma_start3A = arith.constant 0 : i32
        %dma_start3A_47 = tpu.memref_slice %arg9[%add3A_46, %dma_start3A] : memref<10240x64xf32, #tpu.memory_space<vmem_shared>> -> memref<32x64xf32, #tpu.memory_space<vmem_shared>>
        %dma_start3A_48 = arith.constant 0 : i32
        %dma_start3A_49 = tpu.memref_slice %arg9[%add3A_46, %dma_start3A_48] : memref<10240x64xf32, #tpu.memory_space<vmem_shared>> -> memref<32x64xf32, #tpu.memory_space<vmem_shared>>
        tpu.enqueue_dma source(%arg20 : memref<32x64xf32, #tpu.memory_space<vmem>>) target(%dma_start3A_49 : memref<32x64xf32, #tpu.memory_space<vmem_shared>>) target_semaphore(%run_scoped3A : memref<!tpu.dma_semaphore, #tpu.memory_space<semaphore_mem>>)
        %dma_wait3A = arith.constant 0 : i32
        %dma_wait3A_50 = tpu.memref_slice %arg9[%add3A_46, %dma_wait3A] : memref<10240x64xf32, #tpu.memory_space<vmem_shared>> -> memref<32x64xf32, #tpu.memory_space<vmem_shared>>
        %dma_wait3A_51 = arith.constant 0 : i32
        %dma_wait3A_52 = tpu.memref_slice %arg9[%add3A_46, %dma_wait3A_51] : memref<10240x64xf32, #tpu.memory_space<vmem_shared>> -> memref<32x64xf32, #tpu.memory_space<vmem_shared>>
        tpu.wait_dma2 semaphore(%run_scoped3A : memref<!tpu.dma_semaphore, #tpu.memory_space<semaphore_mem>>) src(%arg20 : memref<32x64xf32, #tpu.memory_space<vmem>>) dst(%dma_wait3A_52 : memref<32x64xf32, #tpu.memory_space<vmem_shared>>)
        tpu.yield
      }) : () -> ()
    }
    %scan3A_16 = arith.constant 20 : i32
    "tpu.region"() ({
      %run_scoped3A = tpu.sem_alloc : memref<!tpu.dma_semaphore, #tpu.memory_space<semaphore_mem>>
      %dma_start3A = arith.constant 0 : i32
      %dma_start3A_34 = tpu.memref_slice %arg10[%mul3A_0, %dma_start3A] : memref<10240x64xf32, #tpu.memory_space<vmem_shared>> -> memref<640x64xf32, #tpu.memory_space<vmem_shared>>
      tpu.enqueue_dma source(%arg5 : memref<640x64xf32, #tpu.memory_space<hbm>>) target(%dma_start3A_34 : memref<640x64xf32, #tpu.memory_space<vmem_shared>>) target_semaphore(%run_scoped3A : memref<!tpu.dma_semaphore, #tpu.memory_space<semaphore_mem>>)
      %dma_wait3A = arith.constant 0 : i32
      %dma_wait3A_35 = tpu.memref_slice %arg10[%mul3A_0, %dma_wait3A] : memref<10240x64xf32, #tpu.memory_space<vmem_shared>> -> memref<640x64xf32, #tpu.memory_space<vmem_shared>>
      tpu.wait_dma2 semaphore(%run_scoped3A : memref<!tpu.dma_semaphore, #tpu.memory_space<semaphore_mem>>) src(%arg5 : memref<640x64xf32, #tpu.memory_space<hbm>>) dst(%dma_wait3A_35 : memref<640x64xf32, #tpu.memory_space<vmem_shared>>)
      tpu.yield
    }) : () -> ()
    %barrier3A_17 = arith.constant 0 : index
    tpu.barrier barrier_id(%barrier3A_17)
    %scan3A_18 = arith.constant 0 : i32
    %scan3A_19 = arith.constant 0 : i32
    %scan3A_20 = arith.constant 40 : i32
    %scan3A_21 = arith.addi %scan3A_19, %scan3A_20 : i32
    %scan3A_22 = arith.constant 1 : i32
    scf.for %scan3A_34 = %scan3A_19 to %scan3A_21 step %scan3A_22  : i32 {
      %mul3A_35 = arith.constant 4 : i32
      %mul3A_36 = arith.muli %scan3A_34, %mul3A_35 : i32
      %add3A_37 = arith.addi %mul3A_2, %mul3A_36 : i32
      "tpu.region"() ({
        %run_scoped3A = tpu.sem_alloc : memref<!tpu.dma_semaphore, #tpu.memory_space<semaphore_mem>>
        %dma_start3A_148 = arith.constant 0 : i32
        %dma_start3A_149 = tpu.memref_slice %arg3[%add3A_37, %dma_start3A_148] : memref<2560x128xi32, #tpu.memory_space<hbm>> -> memref<4x128xi32, #tpu.memory_space<hbm>>
        %dma_start3A_150 = arith.constant 0 : i32
        %dma_start3A_151 = tpu.memref_slice %arg3[%add3A_37, %dma_start3A_150] : memref<2560x128xi32, #tpu.memory_space<hbm>> -> memref<4x128xi32, #tpu.memory_space<hbm>>
        tpu.enqueue_dma source(%dma_start3A_151 : memref<4x128xi32, #tpu.memory_space<hbm>>) target(%arg12 : memref<4x128xi32, #tpu.memory_space<vmem>>) target_semaphore(%run_scoped3A : memref<!tpu.dma_semaphore, #tpu.memory_space<semaphore_mem>>)
        %dma_wait3A_152 = arith.constant 0 : i32
        %dma_wait3A_153 = tpu.memref_slice %arg3[%add3A_37, %dma_wait3A_152] : memref<2560x128xi32, #tpu.memory_space<hbm>> -> memref<4x128xi32, #tpu.memory_space<hbm>>
        %dma_wait3A_154 = arith.constant 0 : i32
        %dma_wait3A_155 = tpu.memref_slice %arg3[%add3A_37, %dma_wait3A_154] : memref<2560x128xi32, #tpu.memory_space<hbm>> -> memref<4x128xi32, #tpu.memory_space<hbm>>
        tpu.wait_dma2 semaphore(%run_scoped3A : memref<!tpu.dma_semaphore, #tpu.memory_space<semaphore_mem>>) src(%dma_wait3A_155 : memref<4x128xi32, #tpu.memory_space<hbm>>) dst(%arg12 : memref<4x128xi32, #tpu.memory_space<vmem>>)
        tpu.yield
      }) : () -> ()
      "tpu.region"() ({
        %run_scoped3A = tpu.sem_alloc : memref<!tpu.dma_semaphore, #tpu.memory_space<semaphore_mem>>
        %dma_start3A_148 = arith.constant 0 : i32
        %dma_start3A_149 = tpu.memref_slice %arg4[%add3A_37, %dma_start3A_148] : memref<2560x128xi32, #tpu.memory_space<hbm>> -> memref<4x128xi32, #tpu.memory_space<hbm>>
        %dma_start3A_150 = arith.constant 0 : i32
        %dma_start3A_151 = tpu.memref_slice %arg4[%add3A_37, %dma_start3A_150] : memref<2560x128xi32, #tpu.memory_space<hbm>> -> memref<4x128xi32, #tpu.memory_space<hbm>>
        tpu.enqueue_dma source(%dma_start3A_151 : memref<4x128xi32, #tpu.memory_space<hbm>>) target(%arg13 : memref<4x128xi32, #tpu.memory_space<vmem>>) target_semaphore(%run_scoped3A : memref<!tpu.dma_semaphore, #tpu.memory_space<semaphore_mem>>)
        %dma_wait3A_152 = arith.constant 0 : i32
        %dma_wait3A_153 = tpu.memref_slice %arg4[%add3A_37, %dma_wait3A_152] : memref<2560x128xi32, #tpu.memory_space<hbm>> -> memref<4x128xi32, #tpu.memory_space<hbm>>
        %dma_wait3A_154 = arith.constant 0 : i32
        %dma_wait3A_155 = tpu.memref_slice %arg4[%add3A_37, %dma_wait3A_154] : memref<2560x128xi32, #tpu.memory_space<hbm>> -> memref<4x128xi32, #tpu.memory_space<hbm>>
        tpu.wait_dma2 semaphore(%run_scoped3A : memref<!tpu.dma_semaphore, #tpu.memory_space<semaphore_mem>>) src(%dma_wait3A_155 : memref<4x128xi32, #tpu.memory_space<hbm>>) dst(%arg13 : memref<4x128xi32, #tpu.memory_space<vmem>>)
        tpu.yield
      }) : () -> ()
      %dma_start3A = arith.constant 0 : i32
      %dma_start3A_38 = arith.constant 0 : i32
      %dma_start3A_39 = tpu.memref_slice %arg12[%dma_start3A, %dma_start3A_38] : memref<4x128xi32, #tpu.memory_space<vmem>> -> memref<1x128xi32, #tpu.memory_space<vmem>>
      %dma_start3A_40 = tpu.memref_squeeze %dma_start3A_39 : memref<1x128xi32, #tpu.memory_space<vmem>> -> memref<128xi32, #tpu.memory_space<vmem>>
      %dma_start3A_41 = arith.constant 0 : i32
      %dma_start3A_42 = arith.constant 0 : i32
      %dma_start3A_43 = tpu.memref_slice %arg9[%dma_start3A_41, %dma_start3A_42] : memref<10240x64xf32, #tpu.memory_space<vmem_shared>> -> memref<10240x64xf32, #tpu.memory_space<vmem_shared>>
      tpu.enqueue_indirect_dma source(%dma_start3A_43 : memref<10240x64xf32, #tpu.memory_space<vmem_shared>>) target(%arg14 : memref<128x64xf32, #tpu.memory_space<vmem>>) offsets(%dma_start3A_40 : memref<128xi32, #tpu.memory_space<vmem>>) semaphore(%arg21 : memref<!tpu.dma_semaphore, #tpu.memory_space<semaphore_mem>>)
      %dma_start3A_44 = arith.constant 1 : i32
      %dma_start3A_45 = arith.constant 0 : i32
      %dma_start3A_46 = tpu.memref_slice %arg12[%dma_start3A_44, %dma_start3A_45] : memref<4x128xi32, #tpu.memory_space<vmem>> -> memref<1x128xi32, #tpu.memory_space<vmem>>
      %dma_start3A_47 = tpu.memref_squeeze %dma_start3A_46 : memref<1x128xi32, #tpu.memory_space<vmem>> -> memref<128xi32, #tpu.memory_space<vmem>>
      %dma_start3A_48 = arith.constant 0 : i32
      %dma_start3A_49 = arith.constant 0 : i32
      %dma_start3A_50 = tpu.memref_slice %arg9[%dma_start3A_48, %dma_start3A_49] : memref<10240x64xf32, #tpu.memory_space<vmem_shared>> -> memref<10240x64xf32, #tpu.memory_space<vmem_shared>>
      tpu.enqueue_indirect_dma source(%dma_start3A_50 : memref<10240x64xf32, #tpu.memory_space<vmem_shared>>) target(%arg15 : memref<128x64xf32, #tpu.memory_space<vmem>>) offsets(%dma_start3A_47 : memref<128xi32, #tpu.memory_space<vmem>>) semaphore(%arg22 : memref<!tpu.dma_semaphore, #tpu.memory_space<semaphore_mem>>)
      %dma_wait3A = arith.constant 0 : i32
      %dma_wait3A_51 = arith.constant 0 : i32
      %dma_wait3A_52 = tpu.memref_slice %arg12[%dma_wait3A, %dma_wait3A_51] : memref<4x128xi32, #tpu.memory_space<vmem>> -> memref<1x128xi32, #tpu.memory_space<vmem>>
      %dma_wait3A_53 = tpu.memref_squeeze %dma_wait3A_52 : memref<1x128xi32, #tpu.memory_space<vmem>> -> memref<128xi32, #tpu.memory_space<vmem>>
      %dma_wait3A_54 = arith.constant 0 : i32
      %dma_wait3A_55 = arith.constant 0 : i32
      %dma_wait3A_56 = tpu.memref_slice %arg9[%dma_wait3A_54, %dma_wait3A_55] : memref<10240x64xf32, #tpu.memory_space<vmem_shared>> -> memref<10240x64xf32, #tpu.memory_space<vmem_shared>>
      tpu.wait_indirect_dma semaphore(%arg21 : memref<!tpu.dma_semaphore, #tpu.memory_space<semaphore_mem>>) src(%dma_wait3A_56 : memref<10240x64xf32, #tpu.memory_space<vmem_shared>>) dst(%arg14 : memref<128x64xf32, #tpu.memory_space<vmem>>)
      %dma_start3A_57 = arith.constant 0 : i32
      %dma_start3A_58 = arith.constant 0 : i32
      %dma_start3A_59 = tpu.memref_slice %arg13[%dma_start3A_57, %dma_start3A_58] : memref<4x128xi32, #tpu.memory_space<vmem>> -> memref<1x128xi32, #tpu.memory_space<vmem>>
      %dma_start3A_60 = tpu.memref_squeeze %dma_start3A_59 : memref<1x128xi32, #tpu.memory_space<vmem>> -> memref<128xi32, #tpu.memory_space<vmem>>
      %dma_start3A_61 = arith.constant 0 : i32
      %dma_start3A_62 = arith.constant 0 : i32
      %dma_start3A_63 = tpu.memref_slice %arg10[%dma_start3A_61, %dma_start3A_62] : memref<10240x64xf32, #tpu.memory_space<vmem_shared>> -> memref<10240x64xf32, #tpu.memory_space<vmem_shared>>
      tpu.enqueue_indirect_dma source(%arg14 : memref<128x64xf32, #tpu.memory_space<vmem>>) target(%dma_start3A_63 : memref<10240x64xf32, #tpu.memory_space<vmem_shared>>) offsets(%dma_start3A_60 : memref<128xi32, #tpu.memory_space<vmem>>) semaphore(%arg25 : memref<!tpu.dma_semaphore, #tpu.memory_space<semaphore_mem>>) {add = true}
      %dma_wait3A_64 = arith.constant 1 : i32
      %dma_wait3A_65 = arith.constant 0 : i32
      %dma_wait3A_66 = tpu.memref_slice %arg12[%dma_wait3A_64, %dma_wait3A_65] : memref<4x128xi32, #tpu.memory_space<vmem>> -> memref<1x128xi32, #tpu.memory_space<vmem>>
      %dma_wait3A_67 = tpu.memref_squeeze %dma_wait3A_66 : memref<1x128xi32, #tpu.memory_space<vmem>> -> memref<128xi32, #tpu.memory_space<vmem>>
      %dma_wait3A_68 = arith.constant 0 : i32
      %dma_wait3A_69 = arith.constant 0 : i32
      %dma_wait3A_70 = tpu.memref_slice %arg9[%dma_wait3A_68, %dma_wait3A_69] : memref<10240x64xf32, #tpu.memory_space<vmem_shared>> -> memref<10240x64xf32, #tpu.memory_space<vmem_shared>>
      tpu.wait_indirect_dma semaphore(%arg22 : memref<!tpu.dma_semaphore, #tpu.memory_space<semaphore_mem>>) src(%dma_wait3A_70 : memref<10240x64xf32, #tpu.memory_space<vmem_shared>>) dst(%arg15 : memref<128x64xf32, #tpu.memory_space<vmem>>)
      %dma_start3A_71 = arith.constant 1 : i32
      %dma_start3A_72 = arith.constant 0 : i32
      %dma_start3A_73 = tpu.memref_slice %arg13[%dma_start3A_71, %dma_start3A_72] : memref<4x128xi32, #tpu.memory_space<vmem>> -> memref<1x128xi32, #tpu.memory_space<vmem>>
      %dma_start3A_74 = tpu.memref_squeeze %dma_start3A_73 : memref<1x128xi32, #tpu.memory_space<vmem>> -> memref<128xi32, #tpu.memory_space<vmem>>
      %dma_start3A_75 = arith.constant 0 : i32
      %dma_start3A_76 = arith.constant 0 : i32
      %dma_start3A_77 = tpu.memref_slice %arg10[%dma_start3A_75, %dma_start3A_76] : memref<10240x64xf32, #tpu.memory_space<vmem_shared>> -> memref<10240x64xf32, #tpu.memory_space<vmem_shared>>
      tpu.enqueue_indirect_dma source(%arg15 : memref<128x64xf32, #tpu.memory_space<vmem>>) target(%dma_start3A_77 : memref<10240x64xf32, #tpu.memory_space<vmem_shared>>) offsets(%dma_start3A_74 : memref<128xi32, #tpu.memory_space<vmem>>) semaphore(%arg26 : memref<!tpu.dma_semaphore, #tpu.memory_space<semaphore_mem>>) {add = true}
      %dma_start3A_78 = arith.constant 2 : i32
      %dma_start3A_79 = arith.constant 0 : i32
      %dma_start3A_80 = tpu.memref_slice %arg12[%dma_start3A_78, %dma_start3A_79] : memref<4x128xi32, #tpu.memory_space<vmem>> -> memref<1x128xi32, #tpu.memory_space<vmem>>
      %dma_start3A_81 = tpu.memref_squeeze %dma_start3A_80 : memref<1x128xi32, #tpu.memory_space<vmem>> -> memref<128xi32, #tpu.memory_space<vmem>>
      %dma_start3A_82 = arith.constant 0 : i32
      %dma_start3A_83 = arith.constant 0 : i32
      %dma_start3A_84 = tpu.memref_slice %arg9[%dma_start3A_82, %dma_start3A_83] : memref<10240x64xf32, #tpu.memory_space<vmem_shared>> -> memref<10240x64xf32, #tpu.memory_space<vmem_shared>>
      tpu.enqueue_indirect_dma source(%dma_start3A_84 : memref<10240x64xf32, #tpu.memory_space<vmem_shared>>) target(%arg16 : memref<128x64xf32, #tpu.memory_space<vmem>>) offsets(%dma_start3A_81 : memref<128xi32, #tpu.memory_space<vmem>>) semaphore(%arg23 : memref<!tpu.dma_semaphore, #tpu.memory_space<semaphore_mem>>)
      %dma_start3A_85 = arith.constant 3 : i32
      %dma_start3A_86 = arith.constant 0 : i32
      %dma_start3A_87 = tpu.memref_slice %arg12[%dma_start3A_85, %dma_start3A_86] : memref<4x128xi32, #tpu.memory_space<vmem>> -> memref<1x128xi32, #tpu.memory_space<vmem>>
      %dma_start3A_88 = tpu.memref_squeeze %dma_start3A_87 : memref<1x128xi32, #tpu.memory_space<vmem>> -> memref<128xi32, #tpu.memory_space<vmem>>
      %dma_start3A_89 = arith.constant 0 : i32
      %dma_start3A_90 = arith.constant 0 : i32
      %dma_start3A_91 = tpu.memref_slice %arg9[%dma_start3A_89, %dma_start3A_90] : memref<10240x64xf32, #tpu.memory_space<vmem_shared>> -> memref<10240x64xf32, #tpu.memory_space<vmem_shared>>
      tpu.enqueue_indirect_dma source(%dma_start3A_91 : memref<10240x64xf32, #tpu.memory_space<vmem_shared>>) target(%arg17 : memref<128x64xf32, #tpu.memory_space<vmem>>) offsets(%dma_start3A_88 : memref<128xi32, #tpu.memory_space<vmem>>) semaphore(%arg24 : memref<!tpu.dma_semaphore, #tpu.memory_space<semaphore_mem>>)
      %dma_wait3A_92 = arith.constant 0 : i32
      %dma_wait3A_93 = arith.constant 0 : i32
      %dma_wait3A_94 = tpu.memref_slice %arg13[%dma_wait3A_92, %dma_wait3A_93] : memref<4x128xi32, #tpu.memory_space<vmem>> -> memref<1x128xi32, #tpu.memory_space<vmem>>
      %dma_wait3A_95 = tpu.memref_squeeze %dma_wait3A_94 : memref<1x128xi32, #tpu.memory_space<vmem>> -> memref<128xi32, #tpu.memory_space<vmem>>
      %dma_wait3A_96 = arith.constant 0 : i32
      %dma_wait3A_97 = arith.constant 0 : i32
      %dma_wait3A_98 = tpu.memref_slice %arg10[%dma_wait3A_96, %dma_wait3A_97] : memref<10240x64xf32, #tpu.memory_space<vmem_shared>> -> memref<10240x64xf32, #tpu.memory_space<vmem_shared>>
      tpu.wait_indirect_dma semaphore(%arg25 : memref<!tpu.dma_semaphore, #tpu.memory_space<semaphore_mem>>) src(%arg14 : memref<128x64xf32, #tpu.memory_space<vmem>>) dst(%dma_wait3A_98 : memref<10240x64xf32, #tpu.memory_space<vmem_shared>>)
      %dma_wait3A_99 = arith.constant 1 : i32
      %dma_wait3A_100 = arith.constant 0 : i32
      %dma_wait3A_101 = tpu.memref_slice %arg13[%dma_wait3A_99, %dma_wait3A_100] : memref<4x128xi32, #tpu.memory_space<vmem>> -> memref<1x128xi32, #tpu.memory_space<vmem>>
      %dma_wait3A_102 = tpu.memref_squeeze %dma_wait3A_101 : memref<1x128xi32, #tpu.memory_space<vmem>> -> memref<128xi32, #tpu.memory_space<vmem>>
      %dma_wait3A_103 = arith.constant 0 : i32
      %dma_wait3A_104 = arith.constant 0 : i32
      %dma_wait3A_105 = tpu.memref_slice %arg10[%dma_wait3A_103, %dma_wait3A_104] : memref<10240x64xf32, #tpu.memory_space<vmem_shared>> -> memref<10240x64xf32, #tpu.memory_space<vmem_shared>>
      tpu.wait_indirect_dma semaphore(%arg26 : memref<!tpu.dma_semaphore, #tpu.memory_space<semaphore_mem>>) src(%arg15 : memref<128x64xf32, #tpu.memory_space<vmem>>) dst(%dma_wait3A_105 : memref<10240x64xf32, #tpu.memory_space<vmem_shared>>)
      %dma_wait3A_106 = arith.constant 2 : i32
      %dma_wait3A_107 = arith.constant 0 : i32
      %dma_wait3A_108 = tpu.memref_slice %arg12[%dma_wait3A_106, %dma_wait3A_107] : memref<4x128xi32, #tpu.memory_space<vmem>> -> memref<1x128xi32, #tpu.memory_space<vmem>>
      %dma_wait3A_109 = tpu.memref_squeeze %dma_wait3A_108 : memref<1x128xi32, #tpu.memory_space<vmem>> -> memref<128xi32, #tpu.memory_space<vmem>>
      %dma_wait3A_110 = arith.constant 0 : i32
      %dma_wait3A_111 = arith.constant 0 : i32
      %dma_wait3A_112 = tpu.memref_slice %arg9[%dma_wait3A_110, %dma_wait3A_111] : memref<10240x64xf32, #tpu.memory_space<vmem_shared>> -> memref<10240x64xf32, #tpu.memory_space<vmem_shared>>
      tpu.wait_indirect_dma semaphore(%arg23 : memref<!tpu.dma_semaphore, #tpu.memory_space<semaphore_mem>>) src(%dma_wait3A_112 : memref<10240x64xf32, #tpu.memory_space<vmem_shared>>) dst(%arg16 : memref<128x64xf32, #tpu.memory_space<vmem>>)
      %dma_start3A_113 = arith.constant 2 : i32
      %dma_start3A_114 = arith.constant 0 : i32
      %dma_start3A_115 = tpu.memref_slice %arg13[%dma_start3A_113, %dma_start3A_114] : memref<4x128xi32, #tpu.memory_space<vmem>> -> memref<1x128xi32, #tpu.memory_space<vmem>>
      %dma_start3A_116 = tpu.memref_squeeze %dma_start3A_115 : memref<1x128xi32, #tpu.memory_space<vmem>> -> memref<128xi32, #tpu.memory_space<vmem>>
      %dma_start3A_117 = arith.constant 0 : i32
      %dma_start3A_118 = arith.constant 0 : i32
      %dma_start3A_119 = tpu.memref_slice %arg10[%dma_start3A_117, %dma_start3A_118] : memref<10240x64xf32, #tpu.memory_space<vmem_shared>> -> memref<10240x64xf32, #tpu.memory_space<vmem_shared>>
      tpu.enqueue_indirect_dma source(%arg16 : memref<128x64xf32, #tpu.memory_space<vmem>>) target(%dma_start3A_119 : memref<10240x64xf32, #tpu.memory_space<vmem_shared>>) offsets(%dma_start3A_116 : memref<128xi32, #tpu.memory_space<vmem>>) semaphore(%arg27 : memref<!tpu.dma_semaphore, #tpu.memory_space<semaphore_mem>>) {add = true}
      %dma_wait3A_120 = arith.constant 3 : i32
      %dma_wait3A_121 = arith.constant 0 : i32
      %dma_wait3A_122 = tpu.memref_slice %arg12[%dma_wait3A_120, %dma_wait3A_121] : memref<4x128xi32, #tpu.memory_space<vmem>> -> memref<1x128xi32, #tpu.memory_space<vmem>>
      %dma_wait3A_123 = tpu.memref_squeeze %dma_wait3A_122 : memref<1x128xi32, #tpu.memory_space<vmem>> -> memref<128xi32, #tpu.memory_space<vmem>>
      %dma_wait3A_124 = arith.constant 0 : i32
      %dma_wait3A_125 = arith.constant 0 : i32
      %dma_wait3A_126 = tpu.memref_slice %arg9[%dma_wait3A_124, %dma_wait3A_125] : memref<10240x64xf32, #tpu.memory_space<vmem_shared>> -> memref<10240x64xf32, #tpu.memory_space<vmem_shared>>
      tpu.wait_indirect_dma semaphore(%arg24 : memref<!tpu.dma_semaphore, #tpu.memory_space<semaphore_mem>>) src(%dma_wait3A_126 : memref<10240x64xf32, #tpu.memory_space<vmem_shared>>) dst(%arg17 : memref<128x64xf32, #tpu.memory_space<vmem>>)
      %dma_start3A_127 = arith.constant 3 : i32
      %dma_start3A_128 = arith.constant 0 : i32
      %dma_start3A_129 = tpu.memref_slice %arg13[%dma_start3A_127, %dma_start3A_128] : memref<4x128xi32, #tpu.memory_space<vmem>> -> memref<1x128xi32, #tpu.memory_space<vmem>>
      %dma_start3A_130 = tpu.memref_squeeze %dma_start3A_129 : memref<1x128xi32, #tpu.memory_space<vmem>> -> memref<128xi32, #tpu.memory_space<vmem>>
      %dma_start3A_131 = arith.constant 0 : i32
      %dma_start3A_132 = arith.constant 0 : i32
      %dma_start3A_133 = tpu.memref_slice %arg10[%dma_start3A_131, %dma_start3A_132] : memref<10240x64xf32, #tpu.memory_space<vmem_shared>> -> memref<10240x64xf32, #tpu.memory_space<vmem_shared>>
      tpu.enqueue_indirect_dma source(%arg17 : memref<128x64xf32, #tpu.memory_space<vmem>>) target(%dma_start3A_133 : memref<10240x64xf32, #tpu.memory_space<vmem_shared>>) offsets(%dma_start3A_130 : memref<128xi32, #tpu.memory_space<vmem>>) semaphore(%arg28 : memref<!tpu.dma_semaphore, #tpu.memory_space<semaphore_mem>>) {add = true}
      %dma_wait3A_134 = arith.constant 2 : i32
      %dma_wait3A_135 = arith.constant 0 : i32
      %dma_wait3A_136 = tpu.memref_slice %arg13[%dma_wait3A_134, %dma_wait3A_135] : memref<4x128xi32, #tpu.memory_space<vmem>> -> memref<1x128xi32, #tpu.memory_space<vmem>>
      %dma_wait3A_137 = tpu.memref_squeeze %dma_wait3A_136 : memref<1x128xi32, #tpu.memory_space<vmem>> -> memref<128xi32, #tpu.memory_space<vmem>>
      %dma_wait3A_138 = arith.constant 0 : i32
      %dma_wait3A_139 = arith.constant 0 : i32
      %dma_wait3A_140 = tpu.memref_slice %arg10[%dma_wait3A_138, %dma_wait3A_139] : memref<10240x64xf32, #tpu.memory_space<vmem_shared>> -> memref<10240x64xf32, #tpu.memory_space<vmem_shared>>
      tpu.wait_indirect_dma semaphore(%arg27 : memref<!tpu.dma_semaphore, #tpu.memory_space<semaphore_mem>>) src(%arg16 : memref<128x64xf32, #tpu.memory_space<vmem>>) dst(%dma_wait3A_140 : memref<10240x64xf32, #tpu.memory_space<vmem_shared>>)
      %dma_wait3A_141 = arith.constant 3 : i32
      %dma_wait3A_142 = arith.constant 0 : i32
      %dma_wait3A_143 = tpu.memref_slice %arg13[%dma_wait3A_141, %dma_wait3A_142] : memref<4x128xi32, #tpu.memory_space<vmem>> -> memref<1x128xi32, #tpu.memory_space<vmem>>
      %dma_wait3A_144 = tpu.memref_squeeze %dma_wait3A_143 : memref<1x128xi32, #tpu.memory_space<vmem>> -> memref<128xi32, #tpu.memory_space<vmem>>
      %dma_wait3A_145 = arith.constant 0 : i32
      %dma_wait3A_146 = arith.constant 0 : i32
      %dma_wait3A_147 = tpu.memref_slice %arg10[%dma_wait3A_145, %dma_wait3A_146] : memref<10240x64xf32, #tpu.memory_space<vmem_shared>> -> memref<10240x64xf32, #tpu.memory_space<vmem_shared>>
      tpu.wait_indirect_dma semaphore(%arg28 : memref<!tpu.dma_semaphore, #tpu.memory_space<semaphore_mem>>) src(%arg17 : memref<128x64xf32, #tpu.memory_space<vmem>>) dst(%dma_wait3A_147 : memref<10240x64xf32, #tpu.memory_space<vmem_shared>>)
    }
    %scan3A_23 = arith.constant 40 : i32
    %barrier3A_24 = arith.constant 0 : index
    tpu.barrier barrier_id(%barrier3A_24)
    %mul3A_25 = arith.constant 10240 : i32
    %mul3A_26 = arith.muli %arg0, %mul3A_25 : i32
    %add3A_27 = arith.addi %mul3A_26, %mul3A_0 : i32
    %scan3A_28 = arith.constant 0 : i32
    %scan3A_29 = arith.constant 0 : i32
    %scan3A_30 = arith.constant 20 : i32
    %scan3A_31 = arith.addi %scan3A_29, %scan3A_30 : i32
    %scan3A_32 = arith.constant 1 : i32
    scf.for %scan3A_34 = %scan3A_29 to %scan3A_31 step %scan3A_32  : i32 {
      %mul3A_35 = arith.constant 32 : i32
      %mul3A_36 = arith.muli %scan3A_34, %mul3A_35 : i32
      %add3A_37 = arith.addi %mul3A_0, %mul3A_36 : i32
      "tpu.region"() ({
        %run_scoped3A = tpu.sem_alloc : memref<!tpu.dma_semaphore, #tpu.memory_space<semaphore_mem>>
        %dma_start3A = arith.constant 0 : i32
        %dma_start3A_47 = tpu.memref_slice %arg10[%add3A_37, %dma_start3A] : memref<10240x64xf32, #tpu.memory_space<vmem_shared>> -> memref<32x64xf32, #tpu.memory_space<vmem_shared>>
        %dma_start3A_48 = arith.constant 0 : i32
        %dma_start3A_49 = tpu.memref_slice %arg10[%add3A_37, %dma_start3A_48] : memref<10240x64xf32, #tpu.memory_space<vmem_shared>> -> memref<32x64xf32, #tpu.memory_space<vmem_shared>>
        tpu.enqueue_dma source(%dma_start3A_49 : memref<32x64xf32, #tpu.memory_space<vmem_shared>>) target(%arg20 : memref<32x64xf32, #tpu.memory_space<vmem>>) target_semaphore(%run_scoped3A : memref<!tpu.dma_semaphore, #tpu.memory_space<semaphore_mem>>)
        %dma_wait3A = arith.constant 0 : i32
        %dma_wait3A_50 = tpu.memref_slice %arg10[%add3A_37, %dma_wait3A] : memref<10240x64xf32, #tpu.memory_space<vmem_shared>> -> memref<32x64xf32, #tpu.memory_space<vmem_shared>>
        %dma_wait3A_51 = arith.constant 0 : i32
        %dma_wait3A_52 = tpu.memref_slice %arg10[%add3A_37, %dma_wait3A_51] : memref<10240x64xf32, #tpu.memory_space<vmem_shared>> -> memref<32x64xf32, #tpu.memory_space<vmem_shared>>
        tpu.wait_dma2 semaphore(%run_scoped3A : memref<!tpu.dma_semaphore, #tpu.memory_space<semaphore_mem>>) src(%dma_wait3A_52 : memref<32x64xf32, #tpu.memory_space<vmem_shared>>) dst(%arg20 : memref<32x64xf32, #tpu.memory_space<vmem>>)
        tpu.yield
      }) : () -> ()
      "tpu.region"() ({
        %run_scoped3A = tpu.sem_alloc : memref<!tpu.dma_semaphore, #tpu.memory_space<semaphore_mem>>
        %dma_start3A = arith.constant 0 : i32
        %dma_start3A_47 = tpu.memref_slice %arg11[%add3A_37, %dma_start3A] : memref<10240x16xf32, #tpu.memory_space<vmem_shared>> -> memref<32x16xf32, #tpu.memory_space<vmem_shared>>
        %dma_start3A_48 = arith.constant 0 : i32
        %dma_start3A_49 = tpu.memref_slice %arg11[%add3A_37, %dma_start3A_48] : memref<10240x16xf32, #tpu.memory_space<vmem_shared>> -> memref<32x16xf32, #tpu.memory_space<vmem_shared>>
        tpu.enqueue_dma source(%dma_start3A_49 : memref<32x16xf32, #tpu.memory_space<vmem_shared>>) target(%arg19 : memref<32x16xf32, #tpu.memory_space<vmem>>) target_semaphore(%run_scoped3A : memref<!tpu.dma_semaphore, #tpu.memory_space<semaphore_mem>>)
        %dma_wait3A = arith.constant 0 : i32
        %dma_wait3A_50 = tpu.memref_slice %arg11[%add3A_37, %dma_wait3A] : memref<10240x16xf32, #tpu.memory_space<vmem_shared>> -> memref<32x16xf32, #tpu.memory_space<vmem_shared>>
        %dma_wait3A_51 = arith.constant 0 : i32
        %dma_wait3A_52 = tpu.memref_slice %arg11[%add3A_37, %dma_wait3A_51] : memref<10240x16xf32, #tpu.memory_space<vmem_shared>> -> memref<32x16xf32, #tpu.memory_space<vmem_shared>>
        tpu.wait_dma2 semaphore(%run_scoped3A : memref<!tpu.dma_semaphore, #tpu.memory_space<semaphore_mem>>) src(%dma_wait3A_52 : memref<32x16xf32, #tpu.memory_space<vmem_shared>>) dst(%arg19 : memref<32x16xf32, #tpu.memory_space<vmem>>)
        tpu.yield
      }) : () -> ()
      %scan3A_38 = arith.constant 0 : i32
      %scan3A_39 = arith.constant 0 : i32
      %scan3A_40 = arith.constant 32 : i32
      %scan3A_41 = arith.addi %scan3A_39, %scan3A_40 : i32
      %scan3A_42 = arith.constant 1 : i32
      scf.for %scan3A_47 = %scan3A_39 to %scan3A_41 step %scan3A_42  : i32 {
        %get3A = arith.index_cast %scan3A_47 : i32 to index
        %get3A_48 = arith.constant 0 : index
        %get3A_49 = tpu.vector_load %arg19[%get3A, %get3A_48] {strides = array<i32>} : memref<32x16xf32, #tpu.memory_space<vmem>>, vector<1x16xf32>,
        %get3A_50 = vector.shape_cast %get3A_49 : vector<1x16xf32> to vector<16xf32>
        %max3A = arith.constant 1.000000e+00 : f32
        %max3A_51 = vector.broadcast %max3A : f32 to vector<16xf32>
        %max3A_52 = arith.maximumf %get3A_50, %max3A_51 : vector<16xf32>
        %div3A = arith.constant 1.000000e+00 : f32
        %div3A_53 = vector.broadcast %div3A : f32 to vector<16xf32>
        %div3A_54 = arith.divf %div3A_53, %max3A_52 : vector<16xf32>
        %get3A_55 = arith.index_cast %scan3A_47 : i32 to index
        %get3A_56 = arith.constant 0 : index
        %get3A_57 = tpu.vector_load %arg20[%get3A_55, %get3A_56] {strides = array<i32>} : memref<32x64xf32, #tpu.memory_space<vmem>>, vector<1x16xf32>,
        %get3A_58 = vector.shape_cast %get3A_57 : vector<1x16xf32> to vector<16xf32>
        %mul3A_59 = arith.mulf %get3A_58, %div3A_54 : vector<16xf32>
        %swap3A = arith.index_cast %scan3A_47 : i32 to index
        %swap3A_60 = arith.constant 0 : index
        %swap3A_61 = tpu.vector_load %arg20[%swap3A, %swap3A_60] {strides = array<i32>} : memref<32x64xf32, #tpu.memory_space<vmem>>, vector<1x16xf32>,
        %swap3A_62 = vector.shape_cast %swap3A_61 : vector<1x16xf32> to vector<16xf32>
        %swap3A_63 = vector.shape_cast %mul3A_59 : vector<16xf32> to vector<1x16xf32>
        tpu.vector_store %arg20[%swap3A, %swap3A_60], %swap3A_63 {strides = array<i32>} : memref<32x64xf32, #tpu.memory_space<vmem>>, vector<1x16xf32>,
        %get3A_64 = arith.index_cast %scan3A_47 : i32 to index
        %get3A_65 = arith.constant 16 : index
        %get3A_66 = tpu.vector_load %arg20[%get3A_64, %get3A_65] {strides = array<i32>} : memref<32x64xf32, #tpu.memory_space<vmem>>, vector<1x16xf32>,
        %get3A_67 = vector.shape_cast %get3A_66 : vector<1x16xf32> to vector<16xf32>
        %mul3A_68 = arith.mulf %get3A_67, %div3A_54 : vector<16xf32>
        %swap3A_69 = arith.index_cast %scan3A_47 : i32 to index
        %swap3A_70 = arith.constant 16 : index
        %swap3A_71 = tpu.vector_load %arg20[%swap3A_69, %swap3A_70] {strides = array<i32>} : memref<32x64xf32, #tpu.memory_space<vmem>>, vector<1x16xf32>,
        %swap3A_72 = vector.shape_cast %swap3A_71 : vector<1x16xf32> to vector<16xf32>
        %swap3A_73 = vector.shape_cast %mul3A_68 : vector<16xf32> to vector<1x16xf32>
        tpu.vector_store %arg20[%swap3A_69, %swap3A_70], %swap3A_73 {strides = array<i32>} : memref<32x64xf32, #tpu.memory_space<vmem>>, vector<1x16xf32>,
        %get3A_74 = arith.index_cast %scan3A_47 : i32 to index
        %get3A_75 = arith.constant 32 : index
        %get3A_76 = tpu.vector_load %arg20[%get3A_74, %get3A_75] {strides = array<i32>} : memref<32x64xf32, #tpu.memory_space<vmem>>, vector<1x16xf32>,
        %get3A_77 = vector.shape_cast %get3A_76 : vector<1x16xf32> to vector<16xf32>
        %mul3A_78 = arith.mulf %get3A_77, %div3A_54 : vector<16xf32>
        %swap3A_79 = arith.index_cast %scan3A_47 : i32 to index
        %swap3A_80 = arith.constant 32 : index
        %swap3A_81 = tpu.vector_load %arg20[%swap3A_79, %swap3A_80] {strides = array<i32>} : memref<32x64xf32, #tpu.memory_space<vmem>>, vector<1x16xf32>,
        %swap3A_82 = vector.shape_cast %swap3A_81 : vector<1x16xf32> to vector<16xf32>
        %swap3A_83 = vector.shape_cast %mul3A_78 : vector<16xf32> to vector<1x16xf32>
        tpu.vector_store %arg20[%swap3A_79, %swap3A_80], %swap3A_83 {strides = array<i32>} : memref<32x64xf32, #tpu.memory_space<vmem>>, vector<1x16xf32>,
        %get3A_84 = arith.index_cast %scan3A_47 : i32 to index
        %get3A_85 = arith.constant 48 : index
        %get3A_86 = tpu.vector_load %arg20[%get3A_84, %get3A_85] {strides = array<i32>} : memref<32x64xf32, #tpu.memory_space<vmem>>, vector<1x16xf32>,
        %get3A_87 = vector.shape_cast %get3A_86 : vector<1x16xf32> to vector<16xf32>
        %mul3A_88 = arith.mulf %get3A_87, %div3A_54 : vector<16xf32>
        %swap3A_89 = arith.index_cast %scan3A_47 : i32 to index
        %swap3A_90 = arith.constant 48 : index
        %swap3A_91 = tpu.vector_load %arg20[%swap3A_89, %swap3A_90] {strides = array<i32>} : memref<32x64xf32, #tpu.memory_space<vmem>>, vector<1x16xf32>,
        %swap3A_92 = vector.shape_cast %swap3A_91 : vector<1x16xf32> to vector<16xf32>
        %swap3A_93 = vector.shape_cast %mul3A_88 : vector<16xf32> to vector<1x16xf32>
        tpu.vector_store %arg20[%swap3A_89, %swap3A_90], %swap3A_93 {strides = array<i32>} : memref<32x64xf32, #tpu.memory_space<vmem>>, vector<1x16xf32>,
      }
      %scan3A_43 = arith.constant 32 : i32
      %mul3A_44 = arith.constant 32 : i32
      %mul3A_45 = arith.muli %scan3A_34, %mul3A_44 : i32
      %add3A_46 = arith.addi %add3A_27, %mul3A_45 : i32
      "tpu.region"() ({
        %run_scoped3A = tpu.sem_alloc : memref<!tpu.dma_semaphore, #tpu.memory_space<semaphore_mem>>
        %dma_start3A = arith.constant 0 : i32
        %dma_start3A_47 = tpu.memref_slice %arg8[%add3A_46, %dma_start3A] : memref<20480x64xf32, #tpu.memory_space<hbm>> -> memref<32x64xf32, #tpu.memory_space<hbm>>
        %dma_start3A_48 = arith.constant 0 : i32
        %dma_start3A_49 = tpu.memref_slice %arg8[%add3A_46, %dma_start3A_48] : memref<20480x64xf32, #tpu.memory_space<hbm>> -> memref<32x64xf32, #tpu.memory_space<hbm>>
        tpu.enqueue_dma source(%arg20 : memref<32x64xf32, #tpu.memory_space<vmem>>) target(%dma_start3A_49 : memref<32x64xf32, #tpu.memory_space<hbm>>) target_semaphore(%run_scoped3A : memref<!tpu.dma_semaphore, #tpu.memory_space<semaphore_mem>>)
        %dma_wait3A = arith.constant 0 : i32
        %dma_wait3A_50 = tpu.memref_slice %arg8[%add3A_46, %dma_wait3A] : memref<20480x64xf32, #tpu.memory_space<hbm>> -> memref<32x64xf32, #tpu.memory_space<hbm>>
        %dma_wait3A_51 = arith.constant 0 : i32
        %dma_wait3A_52 = tpu.memref_slice %arg8[%add3A_46, %dma_wait3A_51] : memref<20480x64xf32, #tpu.memory_space<hbm>> -> memref<32x64xf32, #tpu.memory_space<hbm>>
        tpu.wait_dma2 semaphore(%run_scoped3A : memref<!tpu.dma_semaphore, #tpu.memory_space<semaphore_mem>>) src(%arg20 : memref<32x64xf32, #tpu.memory_space<vmem>>) dst(%dma_wait3A_52 : memref<32x64xf32, #tpu.memory_space<hbm>>)
        tpu.yield
      }) : () -> ()
    }
    %scan3A_33 = arith.constant 20 : i32
    return
  }
}

</mosaic_0001>

<sc_bundles>
// kernel: kernel.3.cloned.1.call-start
scs
__scs_entry_jumppad:
0x0: {  	(pc) =	sbr.rel $0x88, $3  }
0x1: {  	(tag) =	ssettag $0x0;
	lr =	simm.s32 $0x1  }
0x2: {  	[smem:$0x3F9F] =	sst lr;
	_ =	strace $0xD0000000  }
0x3: {  	_ = 	snop  }
0x4: {  	_ = 	snop  }
0x5: {  	_ = 	snop  }
0x6: {  	_ = 	snop  }
0x7: {  	_ = 	snop  }
__scs_overlays_trampoline_lowered:
0x8: {  	[smem:$0x3FAE] =	sst s0  }
0x9: {  	[smem:$0x3FAF] =	sst s1  }
0xa: {  	[smem:$0x3FB0] =	sst s2  }
0xb: {  	[smem:$0x3FB1] =	sst s3  }
0xc: {  	[smem:$0x3FB2] =	sst s4  }
0xd: {  	[smem:$0x3FB3] =	sst s5  }
0xe: {  	[smem:$0x3FB4] =	sst s6  }
0xf: {  	[smem:$0x3FB5] =	sst s7  }
0x10: {  	[smem:$0x3FB6] =	sst s8  }
0x11: {  	[smem:$0x3FB7] =	sst s9;
	s0 =	simm.s32 @!p0 $0x0  }
0x12: {  	s1 =	sld [smem:$0x3F9D];
	s0 =	simm.s32 @p0 $0x1  }
0x13: {  	[smem:$0x3FB8] =	sst s0;
	s0 =	simm.s32 @!p1 $0x0  }
0x14: {  	s2 =	sld [smem:$0x3F9C];
	s0 =	simm.s32 @p1 $0x1  }
0x15: {  	[smem:$0x3FB9] =	sst s0;
	s0 =	simm.s32 @!p2 $0x0  }
0x16: {  	s3 =	sld [smem:$0x3FDB];
	s0 =	simm.s32 @p2 $0x1  }
0x17: {  	s4 =	simm.s32 $0x1BF5;
	[smem:$0x3FBB] =	sst s0  }
0x18: {  	s0 =	sld [smem:$0x3F9E];
	_ =	swait.ge [sflag:s4], $0x0  }
0x19: {  	s7 =	sld [smem:$0x3F9F]  }
0x1a: {  	s8 =	sadd.s32 $0xFFFFE003, lr  }
0x1b: {  	s9 =	sadd.s32 $0xFFFFFEF7, lr;
	s5 =	simm.s32 $0xFFFFFFFF;
	p2 =	slt.u32 s8, $0xFFFFF086  }
0x1c: {  	p1 =	slt.u32 s9, $0xF7A;
	s5 =	simm.s32 @!p2 $0x0  }
0x1d: {  	s5 =	simm.s32 @p1 $0x1;
	p0 =	seq.s32 s7, s2  }
0x1e: {  	s7 =	smul.u32 @!p0 $0xF7A, s2;
	p2 =	seq.s32 @!p0 s5, $0x0  }
0x1f: {  	s9 =	smul.u32 $0xF7A, s1;
	s8 =	simm.s32 @!p0 $0x1BF5;
	p2 =	por !p2, p0  }
0x20: {  	[sflag:s8] =	ssyncset.s32 @!p0 $0xFFFFF086;
	s6 =	sadd.s32 @!p0 s3, s7;
	s7 =	simm.s32 @!p0 $0x108  }
0x21: {  	s3 =	sadd.s32 s3, s9;
	s6 =	sadd.s32 @!p0 $0x88, s6;
	s7 =	simm.s32 @p2 $0x1082  }
0x22: {  	[simem:s7], [sflag:s8] =	dma.local @!p0 [hbm:s6], $0xF7A  }
0x23: {  	s9 =	sor.u32 $0xD0000000, s2;
	s6 =	simm.s32 $0x108;
	_ =	swait.ge @!p0 [sflag:s8], $0x0  }
0x24: {  	s3 =	sadd.s32 $0x88, s3;
	s6 =	simm.s32 @!p1 $0x1082;
	[sflag:s4] =	ssyncset.s32 $0xFFFFF086  }
0x25: {  	[simem:s6], [sflag:s4] =	dma.local [hbm:s3], $0xF7A  }
0x26: {  	[smem:$0x3F9F] =	sst s1;
	(tag) =	ssettag s2;
	_ =	strace s9  }
0x27: {  	s1 =	sld [smem:$0x3FAF]  }
0x28: {  	s2 =	sld [smem:$0x3FB0]  }
0x29: {  	s4 =	sld [smem:$0x3FB2]  }
0x2a: {  	p0 =	seq.s32 s5, $0x0;
	s5 =	sld [smem:$0x3FB3]  }
0x2b: {  	s6 =	sld [smem:$0x3FB4]  }
0x2c: {  	s7 =	sld [smem:$0x3FB5]  }
0x2d: {  	s3 =	simm.s32 $0x108;
	s8 =	sld [smem:$0x3FB6]  }
0x2e: {  	s3 =	simm.s32 @!p0 $0x1082;
	s9 =	sld [smem:$0x3FB7]  }
0x2f: {  	lr =	sadd.s32 s0, s3;
	s0 =	sld [smem:$0x3FAE]  }
0x30: {  	s3 =	sld [smem:$0x3FB1]  }
0x31: {  	[smem:$0x3FBA] =	sst s10  }
0x32: {  	s10 =	sld [smem:$0x3FB8];
	_ =	sdelay $0x3  }
0x33: {  	p0 =	seq.s32 s10, $0x1;
	s10 =	sld [smem:$0x3FBA];
	_ =	sdelay $0x3  }
0x34: {  	[smem:$0x3FBA] =	sst s10  }
0x35: {  	s10 =	sld [smem:$0x3FB9];
	_ =	sdelay $0x3  }
0x36: {  	p1 =	seq.s32 s10, $0x1;
	s10 =	sld [smem:$0x3FBA];
	_ =	sdelay $0x3  }
0x37: {  	[smem:$0x3FBA] =	sst s10  }
0x38: {  	s10 =	sld [smem:$0x3FBB]  }
0x39: {  	_ = 	snop;
	(pc) =	sbr.ind lr, $3  }
0x3a: {  	_ = 	snop  }
0x3b: {  	_ = 	snop  }
0x3c: {  	p2 =	seq.s32 s10, $0x1;
	s10 =	sld [smem:$0x3FBA]  }
0x3d: {  	_ =	shalt  }
0x3e: {  	_ =	shalt  }
0x3f: {  	_ =	shalt  }
0x40: {  	_ =	shalt  }
0x41: {  	_ =	shalt  }
0x42: {  	_ =	shalt  }
0x43: {  	_ =	shalt  }
0x44: {  	_ =	shalt  }
0x45: {  	_ =	shalt  }
0x46: {  	_ =	shalt  }
0x47: {  	_ =	shalt  }
0x48: {  	_ =	shalt  }
0x49: {  	_ =	shalt  }
0x4a: {  	_ =	shalt  }
0x4b: {  	_ =	shalt  }
0x4c: {  	_ =	shalt  }
0x4d: {  	_ =	shalt  }
0x4e: {  	_ =	shalt  }
0x4f: {  	_ =	shalt  }
0x50: {  	_ =	shalt  }
0x51: {  	_ =	shalt  }
0x52: {  	_ =	shalt  }
0x53: {  	_ =	shalt  }
0x54: {  	_ =	shalt  }
0x55: {  	_ =	shalt  }
0x56: {  	_ =	shalt  }
0x57: {  	_ =	shalt  }
0x58: {  	_ =	shalt  }
0x59: {  	_ =	shalt  }
0x5a: {  	_ =	shalt  }
0x5b: {  	_ =	shalt  }
0x5c: {  	_ =	shalt  }
0x5d: {  	_ =	shalt  }
0x5e: {  	_ =	shalt  }
0x5f: {  	_ =	shalt  }
0x60: {  	_ =	shalt  }
0x61: {  	_ =	shalt  }
0x62: {  	_ =	shalt  }
0x63: {  	_ =	shalt  }
0x64: {  	_ =	shalt  }
0x65: {  	_ =	shalt  }
0x66: {  	_ =	shalt  }
0x67: {  	_ =	shalt  }
0x68: {  	_ =	shalt  }
0x69: {  	_ =	shalt  }
0x6a: {  	_ =	shalt  }
0x6b: {  	_ =	shalt  }
0x6c: {  	_ =	shalt  }
0x6d: {  	_ =	shalt  }
0x6e: {  	_ =	shalt  }
0x6f: {  	_ =	shalt  }
0x70: {  	_ =	shalt  }
0x71: {  	_ =	shalt  }
0x72: {  	_ =	shalt  }
0x73: {  	_ =	shalt  }
0x74: {  	_ =	shalt  }
0x75: {  	_ =	shalt  }
0x76: {  	_ =	shalt  }
0x77: {  	_ =	shalt  }
0x78: {  	_ =	shalt  }
0x79: {  	_ =	shalt  }
0x7a: {  	_ =	shalt  }
0x7b: {  	_ =	shalt  }
0x7c: {  	_ =	shalt  }
0x7d: {  	_ =	shalt  }
0x7e: {  	_ =	shalt  }
0x7f: {  	_ =	shalt  }
0x80: {  	_ =	shalt  }
0x81: {  	_ =	shalt  }
0x82: {  	_ =	shalt  }
0x83: {  	_ =	shalt  }
0x84: {  	_ =	shalt  }
0x85: {  	_ =	shalt  }
0x86: {  	_ =	shalt  }
0x87: {  	_ =	shalt  }
.Lfunc_end0:
.L_simem_size_0:
called_computation_lowered:
.L_overlay_start_0:
0x88: {  	s2 =	sld [smem:$0x3FD9]  }
0x89: {  	s3 =	sld [smem:$0x3FFE];
	_ =	sdelay $0x1  }
0x8a: {  	s1 =	srdreg.scid  }
0x8b: {  	s0 =	sand.u32 $0x1, s1  }
0x8c: {  	s17 =	sshll.u32 s0, $0xA;
	s2 =	sadd.s32 s3, s2  }
0x8d: {  	s2 =	sadd.s32 s2, s17  }
0x8e: {  	[smem:$0x3FC6] =	sst s2  }
0x8f: {  	_ = 	snop  }
0x90: {  	s2 =	sld [smem:$0x3FD0];
	(tm) =	ssettm $0x1  }
0x91: {  	s18 =	sld [smem:$0x3FFB];
	_ =	sdelay $0x3  }
0x92: {  	_ =	strace s18  }
0x93: {  	s3 =	sld [smem:$0x3FFC];
	_ =	sdelay $0x3  }
0x94: {  	_ =	strace s3  }
0x95: {  	s3 =	sld [smem:$0x3FFD];
	_ =	sdelay $0x3  }
0x96: {  	_ =	strace s3  }
0x97: {  	_ =	strace $0x8FFFFFFF  }
0x98: {  	s19 =	sld [smem:$0x3FDB];
	_ =	sdelay $0x1  }
0x99: {  	s4 =	simm.s32 $_scs_section_size  }
0x9a: {  	s5 =	simm.s32 $_size__tile_overlayer_lowered;
	s6 =	simm.s32 $_tile_overlayer_lowered  }
0x9b: {  	s22 =	simm.s32 $0x1BFF;
	s21 =	sshll.u32 s6, $0x1;
	s3 =	sadd.s32 s4, s19  }
0x9c: {  	s7 =	simm.s32 $0x0;
	s20 =	sshll.u32 s5, $0x1;
	s5 =	sadd.s32 s21, s3  }
0x9d: {  	[timem:s7], [sflag:s22] =	dma.local [hbm:s5], s20  }
0x9e: {  	_ =	swait.ge [sflag:s22], s20  }
0x9f: {  	s4 =	ssub.s32 $0x0, s20;
	[sflag:s22] =	ssyncset.done $0x0  }
0xa0: {  	[sflag:s22] =	ssyncadd.s32 s4;
	_ =	sdelay $0x1  }
0xa1: {  	s23 =	simm.s32 $0x1B8B  }
0xa2: {  	_ =	swait.ge [sflag:s23], $0x1  }
0xa3: {  	[sflag:s23] =	ssyncset.done $0x0  }
0xa4: {  	s25 =	simm.s32 $0x1B8E;
	s24 =	sld [smem:$0x3FFE];
	[sflag:s23] =	ssyncadd.s32 $0xFFFFFFFF  }
0xa5: {  	s26 =	simm.s32 $execute0_lowered;
	[smem:$0x3FD2] =	sst s25  }
0xa6: {  	s5 =	sshll.u32 s26, $0x1;
	_ =	strace $0x80000046;
	[dreg:$0x1] =	wrdreg $0xFFFFFFFF  }
0xa7: {  	s28 =	simm.s32 $_size_execute0_lowered;
	s3 =	sadd.s32 s3, s5;
	[dreg:$0x0] =	wrdreg $0x0  }
0xa8: {  	s5 =	sshll.u32 s28, $0x1;
	[dreg:$0x2] =	wrdreg s3  }
0xa9: {  	[dreg:$0x3] =	wrdreg s5  }
0xaa: {  	[dreg:$0x4] =	wrdreg $0xC0  }
0xab: {  	_ =	task [dreg:s7], $0x5FFFF  }
0xac: {  	[dreg:$0x1] =	wrdreg $0xFFFFFFFF  }
0xad: {  	[dreg:$0x0] =	wrdreg $0x60  }
0xae: {  	[dreg:$0x2] =	wrdreg s24  }
0xaf: {  	[dreg:$0x3] =	wrdreg s2  }
0xb0: {  	[dreg:$0x4] =	wrdreg $0xA0000  }
0xb1: {  	[dreg:$0x5] =	wrdreg $0x140000  }
0xb2: {  	[dreg:$0x6] =	wrdreg $0x0  }
0xb3: {  	[dreg:$0x7] =	wrdreg $0x9  }
0xb4: {  	_ =	task.clear_ibuf [dreg:s7], $0x8FFFF;
	_ =	strace $0x90000046  }
0xb5: {  	s29 =	simm.s32 $0x9;
	_ =	strace $0x80000048  }
0xb6: {  	_ =	swait.ge [sflag:s29], $0x1  }
0xb7: {  	[sflag:s29] =	ssyncadd.s32 $0xFFFFFFFF  }
0xb8: {  	_ =	strace $0x90000048  }
0xb9: {  	_ =	sfence  }
0xba: {  	s30 =	sld [smem:$0x0];
	_ =	sdelay $0x2  }
0xbb: {  	s31 =	sshll.u32 s1, $0xD;
	s1 =	sshrl.u32 s1, $0x2  }
0xbc: {  	s3 =	sand.u32 $0x4000, s31;
	s1 =	sadd.s32 s1, s30  }
0xbd: {  	s0 =	sor.u32 s3, s0;
	s1 =	sshll.u32 s1, $0x11  }
0xbe: {  	s0 =	sor.u32 s1, s0  }
0xbf: {  	s0 =	sadd.s32 $0x8F2B, s0  }
0xc0: {  	[sflag:s0] =	ssyncadd.remote.s32 $0x1  }
0xc1: {  	_ =	sfence.sel $0xFFFF  }
0xc2: {  	[dreg:$0x0] =	wrdreg $0xFFFFFFFF;
	(pc) =	sbr.abs _section_cstart, $3  }
0xc3: {  	[dreg:$0x1] =	wrdreg $0xFFFFFFFF  }
0xc4: {  	_ =	task.clear_ibuf [dreg:s7], $0x2FFFF;
	_ =	strace $0x9FFFFFFF  }
0xc5: {  	(tm) =	ssettm $0x7FFFFFFF  }
tec
execute0_lowered:
.L_overlay_start_1:
0x0: {  	(tag) =	ssettag $0x1  }
0x1: {  	s0 =	rddreg [dreg:$0x0]  }
0x2: {  	s2 =	rddreg [dreg:$0x1]  }
0x3: {  	s1 =	rddreg [dreg:$0x2];
	s4 =	srdreg.scid  }
0x4: {  	s11 =	stileid.u32;
	s3 =	rddreg [dreg:$0x3]  }
0x5: {  	s5 =	rddreg [dreg:$0x4];
	s6 =	simm.s32 $0x0;
	s29 =	simm.s32 $0x18C00  }
0x6: {  	s30 =	simm.s32 $0x16900;
	s14 =	simm.s32 $0x1AC00;
	s31 =	simm.s32 $0x16980  }
0x7: {  	s13 =	simm.s32 $0x4;
	s4 =	sand.u32 $0x1, s4;
	s8 =	smul.u32 $0x280, s11  }
0x8: {  	s15 =	smul.u32 $0xA00, s11;
	[smem:$0x7FF] =	sst s6;
	s10 =	sadd.s32 $0x32400, s0  }
0x9: {  	s17 =	sadd.s32 $0x33800, s0;
	s18 =	sadd.s32 $0x33E00, s0;
	s12 =	smul.u32 $0xA000, s11  }
0xa: {  	s21 =	sshll.u32 s11, $0x6;
	s11 =	simm.s32 $0x16B80;
	s7 =	smul.u32 $0x2800, s4  }
0xb: {  	s4 =	ssub.s32 $0x2, s4;
	[dreg:$0x7] =	wrdreg s8;
	s9 =	sadd.s32 s15, s0  }
0xc: {  	s19 =	sshrl.u32 s4, $0x1;
	s22 =	sadd.s32 s12, s1;
	s8 =	sadd.s32 s8, s7  }
0xd: {  	s23 =	sshrl.u32 s12, $0x2;
	s24 =	sadd.s32 s12, s5;
	[dreg:$0x8] =	wrdreg s8  }
0xe: {  	s20 =	ssub.s32 s4, s19;
	_ =	strace $0x80000047;
	[dreg:$0x9] =	wrdreg s10  }
0xf: {  	s4 =	sor.u32 $0x1C0D, s21;
	s16 =	sadd.s32 $0x28400, s9;
	[dreg:$0xa] =	wrdreg s17  }
0x10: {  	s25 =	sshrl.u32 s22, $0x3;
	s19 =	simm.s32 $0xD;
	[dreg:$0xb] =	wrdreg s18  }
0x11: {  	s28 =	sshrl.u32 s24, $0x3;
	s24 =	simm.s32 $0x16A00;
	[dreg:$0xe] =	wrdreg s4  }
0x12: {  	s7 =	simm.s32 $0x16A80;
	s9 =	simm.s32 $0x2;
	[dreg:$0xc] =	wrdreg s12  }
0x13: {  	s22 =	simm.s32 $0x5;
	s8 =	sshll.u32 s8, $0x3;
	[dreg:$0x11] =	wrdreg s25  }
0x14: {  	s8 =	sadd.s32 s8, s0;
	s0 =	sadd.s32 $0x34000, s0;
	[dreg:$0x13] =	wrdreg s28  }
0x15: {  	s4 =	sadd.s32 s23, s3;
	s17 =	sadd.s32 s15, s2;
	[dreg:$0x6] =	wrdreg s16  }
0x16: {  	s10 =	simm.s32 $0x1EC00;
	s23 =	simm.s32 $0x16800;
	[dreg:$0xd] =	wrdreg s0  }
0x17: {  	s25 =	simm.s32 $0x80;
	s8 =	sadd.s32 $0x400, s8;
	[dreg:$0x14] =	wrdreg s17  }
0x18: {  	s12 =	simm.s32 $0x16B00;
	s0 =	smax.u32 s20, $0x1;
	[dreg:$0xf] =	wrdreg s8  }
0x19: {  	s18 =	simm.s32 $0x3;
	s26 =	sshrl.u32 s4, $0x3;
	[dreg:$0x10] =	wrdreg s0  }
0x1a: {  	s3 =	simm.s32 $0x0;
	s20 =	simm.s32 $0x1CC00;
	[dreg:$0x12] =	wrdreg s26  }
0x1b: {  	s26 =	simm.s32 $0x16C00;
	s0 =	simm.s32 $0x1;
	s8 =	simm.s32 $0x6  }
.LBB2_1:
0x1c: {  	[dreg:$0x15] =	wrdreg s3  }
0x1d: {  	s2 =	rddreg [dreg:$0x9]  }
0x1e: {  	s4 =	rddreg [dreg:$0xe]  }
0x1f: {  	s15 =	rddreg [dreg:$0x11]  }
0x20: {  	[spmem:s15], [sflag:s4] =	dma.local [hbm:s2], $0x1400  }
0x21: {  	_ =	swait.ge [sflag:s19], $0x1400  }
0x22: {  	[sflag:s19] =	ssyncset.done $0x0;
	s21 =	rddreg [dreg:$0xa]  }
0x23: {  	s3 =	rddreg [dreg:$0x12];
	[sflag:s19] =	ssyncadd.s32 $0xFFFFEC00  }
0x24: {  	[spmem:s3], [sflag:s4] =	dma.local [hbm:s21], $0x500  }
0x25: {  	_ =	swait.ge [sflag:s19], $0x500  }
0x26: {  	[sflag:s19] =	ssyncset.done $0x0  }
0x27: {  	s15 =	rddreg [dreg:$0xb];
	[sflag:s19] =	ssyncadd.s32 $0xFFFFFB00  }
0x28: {  	[tilespmem:s10], [sflag:$0xD] =	stream.linear.gather [hbm4b:s15+s6], $0x800, $0x38;
	[tilespmem:$0x1FE00] =	vst v63  }
0x29: {  	_ =	swait.ge [sflag:s19], $0x800  }
0x2a: {  	[sflag:s19] =	ssyncset.done $0x0;
	s21 =	rddreg [dreg:$0xf]  }
0x2b: {  	s3 =	rddreg [dreg:$0x13];
	[sflag:s19] =	ssyncadd.s32 $0xFFFFF800  }
0x2c: {  	[spmem:s3], [sflag:s4] =	dma.local [hbm:s21], $0x1400  }
0x2d: {  	_ =	swait.ge [sflag:s19], $0x1400  }
0x2e: {  	[sflag:s19] =	ssyncset.done $0x0  }
0x2f: {  	[sflag:s19] =	ssyncadd.s32 $0xFFFFEC00  }
0x30: {  	s10 =	sadd.s32 $0x0, s17;
	[bflag:$0x0] =	sbarrier.arrive $0xFFFF  }
0x31: {  	[tilespmem:s23], [sflag:$0xD] =	stream.linear.gather [hbm4b:s10+s6], $0x200, $0x38;
	[tilespmem:$0x1FE00] =	vst v63  }
0x32: {  	_ =	swait.ge [sflag:s19], $0x200  }
0x33: {  	[sflag:s19] =	ssyncset.done $0x0  }
0x34: {  	s21 =	sadd.s32 $0x0, s16;
	[sflag:s19] =	ssyncadd.s32 $0xFFFFFE00  }
0x35: {  	[tilespmem:s24], [sflag:$0xD] =	stream.linear.gather [hbm4b:s21+s6], $0x200, $0x38;
	[tilespmem:$0x1FE00] =	vst v63  }
0x36: {  	_ =	swait.ge [sflag:s19], $0x200  }
0x37: {  	[sflag:s19] =	ssyncset.done $0x0  }
0x38: {  	[sflag:s19] =	ssyncadd.s32 $0xFFFFFE00  }
0x39: {  	[tilespmem:s26], [sflag:$0x1] =	stream.indirect.gather [spmem:s5], $0x40, s23, s25, $0xb8;
	[tilespmem:$0x1FE00] =	vst v63  }
0x3a: {  	s23 =	simm.s32 $0x16880  }
0x3b: {  	[tilespmem:s29], [sflag:$0x2] =	stream.indirect.gather [spmem:s5], $0x40, s23, s25, $0xb8;
	[tilespmem:$0x1FE00] =	vst v63  }
0x3c: {  	s6 =	rddreg [dreg:$0x3];
	s23 =	simm.s32 $0x1EC00  }
0x3d: {  	[spmem:s6] =	stream.indirect.scatter.add.f32 [tilespmem:s23], [sflag:$0x9], $0x10, s24, s25, $0xb8;
	[tilespmem:$0x1FE00] =	vst v63  }
0x3e: {  	_ = 	snop  }
0x3f: {  	[spmem:s6] =	stream.indirect.scatter.add.f32 [tilespmem:s23], [sflag:$0xA], $0x10, s7, s25, $0xb8;
	[tilespmem:$0x1FE00] =	vst v63  }
0x40: {  	_ = 	snop  }
0x41: {  	[spmem:s6] =	stream.indirect.scatter.add.f32 [tilespmem:s23], [sflag:$0xB], $0x10, s12, s25, $0xb8;
	[tilespmem:$0x1FE00] =	vst v63  }
0x42: {  	_ = 	snop  }
0x43: {  	[spmem:s6] =	stream.indirect.scatter.add.f32 [tilespmem:s23], [sflag:$0xC], $0x10, s11, s25, $0xb8;
	[tilespmem:$0x1FE00] =	vst v63  }
0x44: {  	_ =	swait.ge [sflag:s0], $0x2000  }
0x45: {  	[sflag:s0] =	ssyncset.done $0x0  }
0x46: {  	s26 =	simm.s32 $0x16C00;
	[sflag:s0] =	ssyncadd.s32 $0xFFFFE000  }
0x47: {  	[spmem:s1] =	stream.indirect.scatter.add.f32 [tilespmem:s26], [sflag:$0x5], $0x40, s24, s25, $0xb8;
	[tilespmem:$0x1FE00] =	vst v63  }
0x48: {  	_ =	swait.ge [sflag:s9], $0x2000  }
0x49: {  	[sflag:s9] =	ssyncset.done $0x0  }
0x4a: {  	[sflag:s9] =	ssyncadd.s32 $0xFFFFE000  }
0x4b: {  	[spmem:s1] =	stream.indirect.scatter.add.f32 [tilespmem:s29], [sflag:$0x6], $0x40, s7, s25, $0xb8;
	[tilespmem:$0x1FE00] =	vst v63  }
0x4c: {  	_ = 	snop  }
0x4d: {  	[tilespmem:s14], [sflag:$0x3] =	stream.indirect.gather [spmem:s5], $0x40, s30, s25, $0xb8;
	[tilespmem:$0x1FE00] =	vst v63  }
0x4e: {  	_ = 	snop  }
0x4f: {  	[tilespmem:s20], [sflag:$0x4] =	stream.indirect.gather [spmem:s5], $0x40, s31, s25, $0xb8;
	[tilespmem:$0x1FE00] =	vst v63  }
0x50: {  	_ =	swait.ge [sflag:s22], $0x2000  }
0x51: {  	[sflag:s22] =	ssyncset.done $0x0  }
0x52: {  	[sflag:s22] =	ssyncadd.s32 $0xFFFFE000  }
0x53: {  	_ =	swait.ge [sflag:s8], $0x2000  }
0x54: {  	[sflag:s8] =	ssyncset.done $0x0  }
0x55: {  	[sflag:s8] =	ssyncadd.s32 $0xFFFFE000  }
0x56: {  	_ =	swait.ge [sflag:s18], $0x2000  }
0x57: {  	[sflag:s18] =	ssyncset.done $0x0  }
0x58: {  	[sflag:s18] =	ssyncadd.s32 $0xFFFFE000  }
0x59: {  	[spmem:s1] =	stream.indirect.scatter.add.f32 [tilespmem:s14], [sflag:$0x7], $0x40, s12, s25, $0xb8;
	[tilespmem:$0x1FE00] =	vst v63  }
0x5a: {  	_ =	swait.ge [sflag:s13], $0x2000  }
0x5b: {  	[sflag:s13] =	ssyncset.done $0x0  }
0x5c: {  	s29 =	simm.s32 $0x9;
	[sflag:s13] =	ssyncadd.s32 $0xFFFFE000  }
0x5d: {  	[spmem:s1] =	stream.indirect.scatter.add.f32 [tilespmem:s20], [sflag:$0x8], $0x40, s11, s25, $0xb8;
	[tilespmem:$0x1FE00] =	vst v63  }
0x5e: {  	_ =	swait.ge [sflag:s29], $0x800  }
0x5f: {  	[sflag:s29] =	ssyncset.done $0x0  }
0x60: {  	s10 =	simm.s32 $0xA;
	[sflag:s29] =	ssyncadd.s32 $0xFFFFF800  }
0x61: {  	_ =	swait.ge [sflag:s10], $0x800  }
0x62: {  	[sflag:s10] =	ssyncset.done $0x0  }
0x63: {  	s3 =	simm.s32 $0xB;
	[sflag:s10] =	ssyncadd.s32 $0xFFFFF800  }
0x64: {  	_ =	swait.ge [sflag:s3], $0x800  }
0x65: {  	[sflag:s3] =	ssyncset.done $0x0  }
0x66: {  	s24 =	simm.s32 $0xC;
	[sflag:s3] =	ssyncadd.s32 $0xFFFFF800  }
0x67: {  	s28 =	simm.s32 $0x4;
	_ =	swait.ge [sflag:s24], $0x800  }
0x68: {  	s15 =	simm.s32 $0x40;
	s0 =	simm.s32 $0x16A00;
	[sflag:s24] =	ssyncset.done $0x0  }
0x69: {  	s26 =	simm.s32 $0x7;
	s9 =	simm.s32 $0x1;
	[sflag:s24] =	ssyncadd.s32 $0xFFFFF800  }
0x6a: {  	s7 =	simm.s32 $0x16A80;
	s30 =	simm.s32 $0x80;
	_ =	swait.ge [sflag:s26], $0x2000  }
0x6b: {  	s22 =	simm.s32 $0x2;
	s8 =	simm.s32 $0x5;
	[sflag:s26] =	ssyncset.done $0x0  }
0x6c: {  	s18 =	simm.s32 $0x6;
	s20 =	simm.s32 $0x8;
	[sflag:s26] =	ssyncadd.s32 $0xFFFFE000  }
0x6d: {  	s14 =	simm.s32 $0x18C00;
	s12 =	simm.s32 $0x16B00;
	_ =	swait.ge [sflag:s20], $0x2000  }
0x6e: {  	s13 =	simm.s32 $0x3;
	s11 =	simm.s32 $0x16B80;
	[sflag:s20] =	ssyncset.done $0x0  }
.LBB2_2:
0x6f: {  	s2 =	sadd.s32 s15, s17  }
0x70: {  	[sflag:s20] =	ssyncadd.s32 $0xFFFFE000;
	s21 =	simm.s32 $0x16800;
	s16 =	simm.s32 $0x0  }
0x71: {  	[tilespmem:s21], [sflag:$0xD] =	stream.linear.gather [hbm4b:s2+s16], $0x200, $0x38;
	[tilespmem:$0x1FE00] =	vst v63  }
0x72: {  	_ =	swait.ge [sflag:s19], $0x200  }
0x73: {  	[sflag:s19] =	ssyncset.done $0x0;
	s2 =	rddreg [dreg:$0x6]  }
0x74: {  	[sflag:s19] =	ssyncadd.s32 $0xFFFFFE00;
	s2 =	sadd.s32 s15, s2  }
0x75: {  	[tilespmem:s0], [sflag:$0xD] =	stream.linear.gather [hbm4b:s2+s16], $0x200, $0x38;
	[tilespmem:$0x1FE00] =	vst v63  }
0x76: {  	_ =	swait.ge [sflag:s19], $0x200  }
0x77: {  	[sflag:s19] =	ssyncset.done $0x0  }
0x78: {  	s4 =	smov.u32 s30;
	s16 =	simm.s32 $0x16C00;
	[sflag:s19] =	ssyncadd.s32 $0xFFFFFE00  }
0x79: {  	[tilespmem:s16], [sflag:$0x1] =	stream.indirect.gather [spmem:s5], $0x40, s21, s25, $0xb8;
	[tilespmem:$0x1FE00] =	vst v63  }
0x7a: {  	s15 =	smov.u32 s4;
	s4 =	simm.s32 $0x16880  }
0x7b: {  	[tilespmem:s14], [sflag:$0x2] =	stream.indirect.gather [spmem:s5], $0x40, s4, s25, $0xb8;
	[tilespmem:$0x1FE00] =	vst v63  }
0x7c: {  	_ = 	snop  }
0x7d: {  	[spmem:s6] =	stream.indirect.scatter.add.f32 [tilespmem:s23], [sflag:$0x9], $0x10, s0, s25, $0xb8;
	[tilespmem:$0x1FE00] =	vst v63  }
0x7e: {  	_ = 	snop  }
0x7f: {  	[spmem:s6] =	stream.indirect.scatter.add.f32 [tilespmem:s23], [sflag:$0xA], $0x10, s7, s25, $0xb8;
	[tilespmem:$0x1FE00] =	vst v63  }
0x80: {  	_ = 	snop  }
0x81: {  	[spmem:s6] =	stream.indirect.scatter.add.f32 [tilespmem:s23], [sflag:$0xB], $0x10, s12, s25, $0xb8;
	[tilespmem:$0x1FE00] =	vst v63  }
0x82: {  	_ = 	snop  }
0x83: {  	[spmem:s6] =	stream.indirect.scatter.add.f32 [tilespmem:s23], [sflag:$0xC], $0x10, s11, s25, $0xb8;
	[tilespmem:$0x1FE00] =	vst v63  }
0x84: {  	_ =	swait.ge [sflag:s9], $0x2000  }
0x85: {  	[sflag:s9] =	ssyncset.done $0x0  }
0x86: {  	[sflag:s9] =	ssyncadd.s32 $0xFFFFE000  }
0x87: {  	[spmem:s1] =	stream.indirect.scatter.add.f32 [tilespmem:s16], [sflag:$0x5], $0x40, s0, s25, $0xb8;
	[tilespmem:$0x1FE00] =	vst v63  }
0x88: {  	_ =	swait.ge [sflag:s22], $0x2000  }
0x89: {  	[sflag:s22] =	ssyncset.done $0x0  }
0x8a: {  	[sflag:s22] =	ssyncadd.s32 $0xFFFFE000  }
0x8b: {  	[spmem:s1] =	stream.indirect.scatter.add.f32 [tilespmem:s14], [sflag:$0x6], $0x40, s7, s25, $0xb8;
	[tilespmem:$0x1FE00] =	vst v63  }
0x8c: {  	s21 =	simm.s32 $0x16900;
	s16 =	simm.s32 $0x1AC00  }
0x8d: {  	[tilespmem:s16], [sflag:$0x3] =	stream.indirect.gather [spmem:s5], $0x40, s21, s25, $0xb8;
	[tilespmem:$0x1FE00] =	vst v63  }
0x8e: {  	s2 =	simm.s32 $0x1CC00;
	s21 =	simm.s32 $0x16980  }
0x8f: {  	[tilespmem:s2], [sflag:$0x4] =	stream.indirect.gather [spmem:s5], $0x40, s21, s25, $0xb8;
	[tilespmem:$0x1FE00] =	vst v63  }
0x90: {  	_ =	swait.ge [sflag:s8], $0x2000  }
0x91: {  	[sflag:s8] =	ssyncset.done $0x0  }
0x92: {  	[sflag:s8] =	ssyncadd.s32 $0xFFFFE000  }
0x93: {  	_ =	swait.ge [sflag:s18], $0x2000  }
0x94: {  	[sflag:s18] =	ssyncset.done $0x0  }
0x95: {  	[sflag:s18] =	ssyncadd.s32 $0xFFFFE000  }
0x96: {  	_ =	swait.ge [sflag:s13], $0x2000  }
0x97: {  	[sflag:s13] =	ssyncset.done $0x0  }
0x98: {  	[sflag:s13] =	ssyncadd.s32 $0xFFFFE000  }
0x99: {  	[spmem:s1] =	stream.indirect.scatter.add.f32 [tilespmem:s16], [sflag:$0x7], $0x40, s12, s25, $0xb8;
	[tilespmem:$0x1FE00] =	vst v63  }
0x9a: {  	_ =	swait.ge [sflag:s28], $0x2000  }
0x9b: {  	[sflag:s28] =	ssyncset.done $0x0  }
0x9c: {  	[sflag:s28] =	ssyncadd.s32 $0xFFFFE000  }
0x9d: {  	[spmem:s1] =	stream.indirect.scatter.add.f32 [tilespmem:s2], [sflag:$0x8], $0x40, s11, s25, $0xb8;
	[tilespmem:$0x1FE00] =	vst v63  }
0x9e: {  	_ =	swait.ge [sflag:s29], $0x800  }
0x9f: {  	[sflag:s29] =	ssyncset.done $0x0  }
0xa0: {  	[sflag:s29] =	ssyncadd.s32 $0xFFFFF800  }
0xa1: {  	_ =	swait.ge [sflag:s10], $0x800  }
0xa2: {  	[sflag:s10] =	ssyncset.done $0x0  }
0xa3: {  	[sflag:s10] =	ssyncadd.s32 $0xFFFFF800  }
0xa4: {  	_ =	swait.ge [sflag:s3], $0x800  }
0xa5: {  	[sflag:s3] =	ssyncset.done $0x0  }
0xa6: {  	[sflag:s3] =	ssyncadd.s32 $0xFFFFF800  }
0xa7: {  	_ =	swait.ge [sflag:s24], $0x800  }
0xa8: {  	[sflag:s24] =	ssyncset.done $0x0  }
0xa9: {  	p0 =	sne.s32 s30, $0x9C0;
	[sflag:s24] =	ssyncadd.s32 $0xFFFFF800  }
.Ltmp0:
0xaa: {  	_ =	swait.ge [sflag:s26], $0x2000;
	(pc) =	sbr.rel @p0 .LBB2_2-.Ltmp0, $4  }
0xab: {  	[sflag:s26] =	ssyncset.done $0x0  }
0xac: {  	[sflag:s26] =	ssyncadd.s32 $0xFFFFE000  }
0xad: {  	s31 =	sadd.s32 $0x40, s30;
	_ =	swait.ge [sflag:s20], $0x2000  }
0xae: {  	s30 =	smov.u32 s31;
	[sflag:s20] =	ssyncset.done $0x0  }
0xaf: {  	s2 =	sadd.s32 s15, s17  }
0xb0: {  	[sflag:s20] =	ssyncadd.s32 $0xFFFFE000;
	s30 =	simm.s32 $0x16800;
	s16 =	simm.s32 $0x0  }
0xb1: {  	[tilespmem:s30], [sflag:$0xD] =	stream.linear.gather [hbm4b:s2+s16], $0x200, $0x38;
	[tilespmem:$0x1FE00] =	vst v63  }
0xb2: {  	_ =	swait.ge [sflag:s19], $0x200  }
0xb3: {  	[sflag:s19] =	ssyncset.done $0x0;
	s31 =	rddreg [dreg:$0x6]  }
0xb4: {  	[sflag:s19] =	ssyncadd.s32 $0xFFFFFE00;
	s2 =	sadd.s32 s15, s31  }
0xb5: {  	[tilespmem:s0], [sflag:$0xD] =	stream.linear.gather [hbm4b:s2+s16], $0x200, $0x38;
	[tilespmem:$0x1FE00] =	vst v63  }
0xb6: {  	_ =	swait.ge [sflag:s19], $0x200  }
0xb7: {  	[sflag:s19] =	ssyncset.done $0x0  }
0xb8: {  	s21 =	simm.s32 $0x16C00;
	[sflag:s19] =	ssyncadd.s32 $0xFFFFFE00  }
0xb9: {  	[tilespmem:s21], [sflag:$0x1] =	stream.indirect.gather [spmem:s5], $0x40, s30, s25, $0xb8;
	[tilespmem:$0x1FE00] =	vst v63  }
0xba: {  	_ = 	snop  }
0xbb: {  	[tilespmem:s14], [sflag:$0x2] =	stream.indirect.gather [spmem:s5], $0x40, s4, s25, $0xb8;
	[tilespmem:$0x1FE00] =	vst v63  }
0xbc: {  	_ = 	snop  }
0xbd: {  	[spmem:s6] =	stream.indirect.scatter.add.f32 [tilespmem:s23], [sflag:$0x9], $0x10, s0, s25, $0xb8;
	[tilespmem:$0x1FE00] =	vst v63  }
0xbe: {  	_ = 	snop  }
0xbf: {  	[spmem:s6] =	stream.indirect.scatter.add.f32 [tilespmem:s23], [sflag:$0xA], $0x10, s7, s25, $0xb8;
	[tilespmem:$0x1FE00] =	vst v63  }
0xc0: {  	_ = 	snop  }
0xc1: {  	[spmem:s6] =	stream.indirect.scatter.add.f32 [tilespmem:s23], [sflag:$0xB], $0x10, s12, s25, $0xb8;
	[tilespmem:$0x1FE00] =	vst v63  }
0xc2: {  	_ = 	snop  }
0xc3: {  	[spmem:s6] =	stream.indirect.scatter.add.f32 [tilespmem:s23], [sflag:$0xC], $0x10, s11, s25, $0xb8;
	[tilespmem:$0x1FE00] =	vst v63  }
0xc4: {  	_ =	swait.ge [sflag:s9], $0x2000  }
0xc5: {  	[sflag:s9] =	ssyncset.done $0x0  }
0xc6: {  	[sflag:s9] =	ssyncadd.s32 $0xFFFFE000  }
0xc7: {  	[spmem:s1] =	stream.indirect.scatter.add.f32 [tilespmem:s21], [sflag:$0x5], $0x40, s0, s25, $0xb8;
	[tilespmem:$0x1FE00] =	vst v63  }
0xc8: {  	_ =	swait.ge [sflag:s22], $0x2000  }
0xc9: {  	[sflag:s22] =	ssyncset.done $0x0  }
0xca: {  	[sflag:s22] =	ssyncadd.s32 $0xFFFFE000  }
0xcb: {  	[spmem:s1] =	stream.indirect.scatter.add.f32 [tilespmem:s14], [sflag:$0x6], $0x40, s7, s25, $0xb8;
	[tilespmem:$0x1FE00] =	vst v63  }
0xcc: {  	s23 =	simm.s32 $0x16900;
	s22 =	simm.s32 $0x1AC00  }
0xcd: {  	[tilespmem:s22], [sflag:$0x3] =	stream.indirect.gather [spmem:s5], $0x40, s23, s25, $0xb8;
	[tilespmem:$0x1FE00] =	vst v63  }
0xce: {  	s31 =	simm.s32 $0x16980;
	s30 =	simm.s32 $0x1CC00  }
0xcf: {  	[tilespmem:s30], [sflag:$0x4] =	stream.indirect.gather [spmem:s5], $0x40, s31, s25, $0xb8;
	[tilespmem:$0x1FE00] =	vst v63  }
0xd0: {  	_ =	swait.ge [sflag:s8], $0x2000  }
0xd1: {  	[sflag:s8] =	ssyncset.done $0x0  }
0xd2: {  	[sflag:s8] =	ssyncadd.s32 $0xFFFFE000  }
0xd3: {  	_ =	swait.ge [sflag:s18], $0x2000  }
0xd4: {  	[sflag:s18] =	ssyncset.done $0x0  }
0xd5: {  	[sflag:s18] =	ssyncadd.s32 $0xFFFFE000  }
0xd6: {  	_ =	swait.ge [sflag:s13], $0x2000  }
0xd7: {  	[sflag:s13] =	ssyncset.done $0x0  }
0xd8: {  	[sflag:s13] =	ssyncadd.s32 $0xFFFFE000  }
0xd9: {  	[spmem:s1] =	stream.indirect.scatter.add.f32 [tilespmem:s22], [sflag:$0x7], $0x40, s12, s25, $0xb8;
	[tilespmem:$0x1FE00] =	vst v63  }
0xda: {  	_ =	swait.ge [sflag:s28], $0x2000  }
0xdb: {  	[sflag:s28] =	ssyncset.done $0x0  }
0xdc: {  	[sflag:s28] =	ssyncadd.s32 $0xFFFFE000  }
0xdd: {  	[spmem:s1] =	stream.indirect.scatter.add.f32 [tilespmem:s30], [sflag:$0x8], $0x40, s11, s25, $0xb8;
	[tilespmem:$0x1FE00] =	vst v63  }
0xde: {  	_ =	swait.ge [sflag:s29], $0x800  }
0xdf: {  	[sflag:s29] =	ssyncset.done $0x0  }
0xe0: {  	[sflag:s29] =	ssyncadd.s32 $0xFFFFF800  }
0xe1: {  	_ =	swait.ge [sflag:s10], $0x800  }
0xe2: {  	[sflag:s10] =	ssyncset.done $0x0  }
0xe3: {  	[sflag:s10] =	ssyncadd.s32 $0xFFFFF800  }
0xe4: {  	_ =	swait.ge [sflag:s3], $0x800  }
0xe5: {  	[sflag:s3] =	ssyncset.done $0x0  }
0xe6: {  	[sflag:s3] =	ssyncadd.s32 $0xFFFFF800  }
0xe7: {  	_ =	swait.ge [sflag:s24], $0x800  }
0xe8: {  	[sflag:s24] =	ssyncset.done $0x0  }
0xe9: {  	[sflag:s24] =	ssyncadd.s32 $0xFFFFF800  }
0xea: {  	_ =	swait.ge [sflag:s26], $0x2000  }
0xeb: {  	s9 =	simm.s32 $0x2;
	[sflag:s26] =	ssyncset.done $0x0  }
0xec: {  	s0 =	simm.s32 $0x1F600;
	s7 =	simm.s32 $0x0;
	[sflag:s26] =	ssyncadd.s32 $0xFFFFE000  }
0xed: {  	s14 =	simm.s32 $0x1AC00;
	s8 =	simm.s32 $0x6;
	_ =	swait.ge [sflag:s20], $0x2000  }
0xee: {  	s18 =	simm.s32 $0x3;
	s13 =	simm.s32 $0x4;
	[sflag:s20] =	ssyncset.done $0x0  }
0xef: {  	s22 =	simm.s32 $0x5;
	s28 =	simm.s32 $0x8;
	[sflag:s20] =	ssyncadd.s32 $0xFFFFE000  }
0xf0: {  	s10 =	simm.s32 $0x7;
	s3 =	simm.s32 $0x1F400;
	[bflag:$0x0] =	sbarrier.arrive $0xFFFF  }
0xf1: {  	s26 =	simm.s32 $0x16C00;
	s20 =	simm.s32 $0x1CC00;
	s4 =	rddreg [dreg:$0xc]  }
.LBB2_4:
0xf2: {  	s2 =	sshll.u32 s7, $0xB  }
0xf3: {  	s11 =	sadd.s32 s4, s2  }
0xf4: {  	s2 =	sadd.s32 s11, s1  }
0xf5: {  	[tilespmem:s0], [sflag:$0xD] =	stream.linear.gather [spmem:s2], $0x800, $0x38;
	[tilespmem:$0x1FE00] =	vst v63  }
0xf6: {  	_ =	swait.ge [sflag:s19], $0x800  }
0xf7: {  	s24 =	sshrl.u32 s11, $0x2;
	[sflag:s19] =	ssyncset.done $0x0  }
0xf8: {  	s2 =	sadd.s32 s24, s6;
	[sflag:s19] =	ssyncadd.s32 $0xFFFFF800  }
0xf9: {  	[tilespmem:s3], [sflag:$0xD] =	stream.linear.gather [spmem:s2], $0x200, $0x38;
	[tilespmem:$0x1FE00] =	vst v63  }
0xfa: {  	_ =	swait.ge [sflag:s19], $0x200  }
0xfb: {  	[sflag:s19] =	ssyncset.done $0x0  }
0xfc: {  	s29 =	simm.s32 $0x0;
	[sflag:s19] =	ssyncadd.s32 $0xFFFFFE00  }
0xfd: {  	v0 =	vld [tilespmem:s29+$0x1F400];
	_ =	sdelay $0x4  }
0xfe: {  	v0 =	vmax.f32 v0, $1.000000000e+00  }
0xff: {  	(erf) = vrcp.f32 v0;
	_ =	sdelay $0x3  }
0x100: {  	s30 =	simm.s32 $0x1F620  }
0x101: {  	v62 =	vld [tilespmem:s30+$0xFFFFFFE0]  }
0x102: {  	v1 =	vld [tilespmem:s30+$0xFFFFFFF0]  }
0x103: {  	v2 =	vld [tilespmem:s30+$0x0]  }
0x104: {  	v3 =	vld [tilespmem:s30+$0x10]  }
0x105: {  	v4 =	vpop (erf)  }
0x106: {  	v0 =	vmul.f32 v4, v62  }
0x107: {  	v1 =	vmul.f32 v1, v4  }
0x108: {  	v2 =	vmul.f32 v2, v4;
	[tilespmem:s30+$0xFFFFFFE0] =	vst v0  }
0x109: {  	v63 =	vmul.f32 v3, v4;
	[tilespmem:s30+$0xFFFFFFF0] =	vst v1  }
0x10a: {  	[tilespmem:s30+$0x0] =	vst v2  }
0x10b: {  	s31 =	simm.s32 $0x10;
	s15 =	simm.s32 $0x80;
	[tilespmem:s30+$0x10] =	vst v63  }
.LBB2_5:
0x10c: {  	p0 =	sne.s32 s15, $0x7C0;
	v0 =	vld [tilespmem:s31+$0x1F400];
	_ =	sdelay $0x4  }
0x10d: {  	v0 =	vmax.f32 v0, $1.000000000e+00  }
0x10e: {  	(erf) = vrcp.f32 v0;
	_ =	sdelay $0x1  }
0x10f: {  	s30 =	sadd.s32 $0x40, s30  }
0x110: {  	v0 =	vld [tilespmem:s30+$0xFFFFFFF0]  }
0x111: {  	v1 =	vld [tilespmem:s30+$0x10]  }
0x112: {  	v2 =	vld [tilespmem:s30+$0xFFFFFFE0]  }
0x113: {  	v3 =	vld [tilespmem:s30+$0x0];
	_ =	sdelay $0x2  }
0x114: {  	v4 =	vpop (erf)  }
0x115: {  	v2 =	vmul.f32 v4, v2;
	v0 =	vmul.f32 v0, v4  }
.Ltmp1:
0x116: {  	v1 =	vmul.f32 v1, v4;
	v3 =	vmul.f32 v3, v4;
	(pc) =	sbr.rel @p0 .LBB2_5-.Ltmp1, $4  }
0x117: {  	[tilespmem:s30+$0xFFFFFFE0] =	vst v2  }
0x118: {  	[tilespmem:s30+$0xFFFFFFF0] =	vst v0  }
0x119: {  	[tilespmem:s30+$0x0] =	vst v3  }
0x11a: {  	s31 =	sshra.s32 s15, $0x2;
	s15 =	sadd.s32 $0x40, s15;
	[tilespmem:s30+$0x10] =	vst v1  }
0x11b: {  	v0 =	vld [tilespmem:s31+$0x1F400];
	_ =	sdelay $0x4  }
0x11c: {  	v0 =	vmax.f32 v0, $1.000000000e+00  }
0x11d: {  	(erf) = vrcp.f32 v0;
	_ =	sdelay $0x3  }
0x11e: {  	s2 =	sadd.s32 $0x40, s30  }
0x11f: {  	v62 =	vld [tilespmem:s2+$0xFFFFFFE0]  }
0x120: {  	v1 =	vld [tilespmem:s2+$0xFFFFFFF0]  }
0x121: {  	v2 =	vld [tilespmem:s2+$0x0]  }
0x122: {  	v3 =	vld [tilespmem:s2+$0x10]  }
0x123: {  	v4 =	vpop (erf)  }
0x124: {  	v0 =	vmul.f32 v4, v62  }
0x125: {  	v1 =	vmul.f32 v1, v4  }
0x126: {  	v2 =	vmul.f32 v2, v4;
	[tilespmem:s2+$0xFFFFFFE0] =	vst v0  }
0x127: {  	s7 =	sadd.s32 $0x1, s7;
	v63 =	vmul.f32 v3, v4;
	[tilespmem:s2+$0xFFFFFFF0] =	vst v1  }
0x128: {  	p0 =	sne.s32 s7, $0x14;
	[tilespmem:s2+$0x0] =	vst v2  }
.Ltmp2:
0x129: {  	s31 =	sadd.s32 s11, s5;
	[tilespmem:s2+$0x10] =	vst v63;
	(pc) =	sbr.rel @p0 .LBB2_4-.Ltmp2, $4  }
0x12a: {  	[spmem:s31] =	stream.linear.scatter [tilespmem:s0], [sflag:$0xD], $0x800, $0x38;
	[tilespmem:$0x1FE00] =	vst v63  }
0x12b: {  	_ =	swait.ge [sflag:s19], $0x800  }
0x12c: {  	[sflag:s19] =	ssyncset.done $0x0  }
0x12d: {  	[sflag:s19] =	ssyncadd.s32 $0xFFFFF800  }
0x12e: {  	s2 =	rddreg [dreg:$0x9]  }
0x12f: {  	s4 =	rddreg [dreg:$0xe]  }
0x130: {  	s15 =	rddreg [dreg:$0x11]  }
0x131: {  	[spmem:s15], [sflag:s4] =	dma.local [hbm:s2], $0x1400  }
0x132: {  	_ =	swait.ge [sflag:s19], $0x1400  }
0x133: {  	[sflag:s19] =	ssyncset.done $0x0  }
0x134: {  	[sflag:s19] =	ssyncadd.s32 $0xFFFFEC00  }
0x135: {  	[bflag:$0x0] =	sbarrier.arrive $0xFFFF  }
0x136: {  	s17 =	rddreg [dreg:$0x14]  }
0x137: {  	s6 =	simm.s32 $0x0;
	s23 =	simm.s32 $0x16800;
	s16 =	sadd.s32 $0x0, s17  }
0x138: {  	[tilespmem:s23], [sflag:$0xD] =	stream.linear.gather [hbm4b:s16+s6], $0x200, $0x38;
	[tilespmem:$0x1FE00] =	vst v63  }
0x139: {  	_ =	swait.ge [sflag:s19], $0x200  }
0x13a: {  	[sflag:s19] =	ssyncset.done $0x0;
	s16 =	rddreg [dreg:$0x6]  }
0x13b: {  	s24 =	simm.s32 $0x16A00;
	[sflag:s19] =	ssyncadd.s32 $0xFFFFFE00;
	s21 =	sadd.s32 $0x0, s16  }
0x13c: {  	[tilespmem:s24], [sflag:$0xD] =	stream.linear.gather [hbm4b:s21+s6], $0x200, $0x38;
	[tilespmem:$0x1FE00] =	vst v63  }
0x13d: {  	_ =	swait.ge [sflag:s19], $0x200  }
0x13e: {  	[sflag:s19] =	ssyncset.done $0x0  }
0x13f: {  	[sflag:s19] =	ssyncadd.s32 $0xFFFFFE00  }
0x140: {  	[tilespmem:s26], [sflag:$0x1] =	stream.indirect.gather [spmem:s5], $0x40, s23, s25, $0xb8;
	[tilespmem:$0x1FE00] =	vst v63  }
0x141: {  	s30 =	simm.s32 $0x16880;
	s29 =	simm.s32 $0x18C00;
	s0 =	simm.s32 $0x1  }
0x142: {  	[tilespmem:s29], [sflag:$0x2] =	stream.indirect.gather [spmem:s5], $0x40, s30, s25, $0xb8;
	[tilespmem:$0x1FE00] =	vst v63  }
0x143: {  	_ =	swait.ge [sflag:s0], $0x2000  }
0x144: {  	[sflag:s0] =	ssyncset.done $0x0  }
0x145: {  	[sflag:s0] =	ssyncadd.s32 $0xFFFFE000  }
0x146: {  	[spmem:s1] =	stream.indirect.scatter.add.f32 [tilespmem:s26], [sflag:$0x5], $0x40, s24, s25, $0xb8;
	[tilespmem:$0x1FE00] =	vst v63  }
0x147: {  	_ =	swait.ge [sflag:s9], $0x2000  }
0x148: {  	[sflag:s9] =	ssyncset.done $0x0  }
0x149: {  	s7 =	simm.s32 $0x16A80;
	[sflag:s9] =	ssyncadd.s32 $0xFFFFE000  }
0x14a: {  	[spmem:s1] =	stream.indirect.scatter.add.f32 [tilespmem:s29], [sflag:$0x6], $0x40, s7, s25, $0xb8;
	[tilespmem:$0x1FE00] =	vst v63  }
0x14b: {  	s3 =	simm.s32 $0x16900  }
0x14c: {  	[tilespmem:s14], [sflag:$0x3] =	stream.indirect.gather [spmem:s5], $0x40, s3, s25, $0xb8;
	[tilespmem:$0x1FE00] =	vst v63  }
0x14d: {  	s21 =	simm.s32 $0x16980  }
0x14e: {  	[tilespmem:s20], [sflag:$0x4] =	stream.indirect.gather [spmem:s5], $0x40, s21, s25, $0xb8;
	[tilespmem:$0x1FE00] =	vst v63  }
0x14f: {  	_ =	swait.ge [sflag:s22], $0x2000  }
0x150: {  	[sflag:s22] =	ssyncset.done $0x0  }
0x151: {  	[sflag:s22] =	ssyncadd.s32 $0xFFFFE000  }
0x152: {  	_ =	swait.ge [sflag:s8], $0x2000  }
0x153: {  	[sflag:s8] =	ssyncset.done $0x0  }
0x154: {  	[sflag:s8] =	ssyncadd.s32 $0xFFFFE000  }
0x155: {  	_ =	swait.ge [sflag:s18], $0x2000  }
0x156: {  	[sflag:s18] =	ssyncset.done $0x0  }
0x157: {  	s12 =	simm.s32 $0x16B00;
	[sflag:s18] =	ssyncadd.s32 $0xFFFFE000  }
0x158: {  	[spmem:s1] =	stream.indirect.scatter.add.f32 [tilespmem:s14], [sflag:$0x7], $0x40, s12, s25, $0xb8;
	[tilespmem:$0x1FE00] =	vst v63  }
0x159: {  	_ =	swait.ge [sflag:s13], $0x2000  }
0x15a: {  	[sflag:s13] =	ssyncset.done $0x0  }
0x15b: {  	s11 =	simm.s32 $0x16B80;
	[sflag:s13] =	ssyncadd.s32 $0xFFFFE000  }
0x15c: {  	[spmem:s1] =	stream.indirect.scatter.add.f32 [tilespmem:s20], [sflag:$0x8], $0x40, s11, s25, $0xb8;
	[tilespmem:$0x1FE00] =	vst v63  }
0x15d: {  	_ =	swait.ge [sflag:s10], $0x2000  }
0x15e: {  	[sflag:s10] =	ssyncset.done $0x0  }
0x15f: {  	[sflag:s10] =	ssyncadd.s32 $0xFFFFE000  }
0x160: {  	_ =	swait.ge [sflag:s28], $0x2000  }
0x161: {  	s31 =	simm.s32 $0x80;
	s15 =	simm.s32 $0x40;
	[sflag:s28] =	ssyncset.done $0x0  }
.LBB2_8:
0x162: {  	s2 =	sadd.s32 s15, s17  }
0x163: {  	[sflag:s28] =	ssyncadd.s32 $0xFFFFE000;
	s4 =	smov.u32 s31;
	s30 =	sadd.s32 $0x40, s31  }
0x164: {  	[tilespmem:s23], [sflag:$0xD] =	stream.linear.gather [hbm4b:s2+s6], $0x200, $0x38;
	[tilespmem:$0x1FE00] =	vst v63  }
0x165: {  	p0 =	sne.s32 s31, $0x9C0;
	_ =	swait.ge [sflag:s19], $0x200  }
0x166: {  	s2 =	sadd.s32 s15, s16;
	[sflag:s19] =	ssyncset.done $0x0  }
0x167: {  	s15 =	smov.u32 s4;
	s4 =	simm.s32 $0x16880;
	[sflag:s19] =	ssyncadd.s32 $0xFFFFFE00  }
0x168: {  	[tilespmem:s24], [sflag:$0xD] =	stream.linear.gather [hbm4b:s2+s6], $0x200, $0x38;
	[tilespmem:$0x1FE00] =	vst v63  }
0x169: {  	_ =	swait.ge [sflag:s19], $0x200  }
0x16a: {  	[sflag:s19] =	ssyncset.done $0x0  }
0x16b: {  	[sflag:s19] =	ssyncadd.s32 $0xFFFFFE00  }
0x16c: {  	[tilespmem:s26], [sflag:$0x1] =	stream.indirect.gather [spmem:s5], $0x40, s23, s25, $0xb8;
	[tilespmem:$0x1FE00] =	vst v63  }
0x16d: {  	_ = 	snop  }
0x16e: {  	[tilespmem:s29], [sflag:$0x2] =	stream.indirect.gather [spmem:s5], $0x40, s4, s25, $0xb8;
	[tilespmem:$0x1FE00] =	vst v63  }
0x16f: {  	_ =	swait.ge [sflag:s0], $0x2000  }
0x170: {  	[sflag:s0] =	ssyncset.done $0x0  }
0x171: {  	[sflag:s0] =	ssyncadd.s32 $0xFFFFE000  }
0x172: {  	[spmem:s1] =	stream.indirect.scatter.add.f32 [tilespmem:s26], [sflag:$0x5], $0x40, s24, s25, $0xb8;
	[tilespmem:$0x1FE00] =	vst v63  }
0x173: {  	_ =	swait.ge [sflag:s9], $0x2000  }
0x174: {  	[sflag:s9] =	ssyncset.done $0x0  }
0x175: {  	[sflag:s9] =	ssyncadd.s32 $0xFFFFE000  }
0x176: {  	[spmem:s1] =	stream.indirect.scatter.add.f32 [tilespmem:s29], [sflag:$0x6], $0x40, s7, s25, $0xb8;
	[tilespmem:$0x1FE00] =	vst v63  }
0x177: {  	_ = 	snop  }
0x178: {  	[tilespmem:s14], [sflag:$0x3] =	stream.indirect.gather [spmem:s5], $0x40, s3, s25, $0xb8;
	[tilespmem:$0x1FE00] =	vst v63  }
0x179: {  	_ = 	snop  }
0x17a: {  	[tilespmem:s20], [sflag:$0x4] =	stream.indirect.gather [spmem:s5], $0x40, s21, s25, $0xb8;
	[tilespmem:$0x1FE00] =	vst v63  }
0x17b: {  	_ =	swait.ge [sflag:s22], $0x2000  }
0x17c: {  	[sflag:s22] =	ssyncset.done $0x0  }
0x17d: {  	[sflag:s22] =	ssyncadd.s32 $0xFFFFE000  }
0x17e: {  	_ =	swait.ge [sflag:s8], $0x2000  }
0x17f: {  	[sflag:s8] =	ssyncset.done $0x0  }
0x180: {  	[sflag:s8] =	ssyncadd.s32 $0xFFFFE000  }
0x181: {  	_ =	swait.ge [sflag:s18], $0x2000  }
0x182: {  	[sflag:s18] =	ssyncset.done $0x0  }
0x183: {  	[sflag:s18] =	ssyncadd.s32 $0xFFFFE000  }
0x184: {  	[spmem:s1] =	stream.indirect.scatter.add.f32 [tilespmem:s14], [sflag:$0x7], $0x40, s12, s25, $0xb8;
	[tilespmem:$0x1FE00] =	vst v63  }
0x185: {  	_ =	swait.ge [sflag:s13], $0x2000  }
0x186: {  	[sflag:s13] =	ssyncset.done $0x0  }
0x187: {  	[sflag:s13] =	ssyncadd.s32 $0xFFFFE000  }
0x188: {  	[spmem:s1] =	stream.indirect.scatter.add.f32 [tilespmem:s20], [sflag:$0x8], $0x40, s11, s25, $0xb8;
	[tilespmem:$0x1FE00] =	vst v63  }
.Ltmp3:
0x189: {  	_ =	swait.ge [sflag:s10], $0x2000;
	(pc) =	sbr.rel @p0 .LBB2_8-.Ltmp3, $4  }
0x18a: {  	[sflag:s10] =	ssyncset.done $0x0  }
0x18b: {  	[sflag:s10] =	ssyncadd.s32 $0xFFFFE000  }
0x18c: {  	_ =	swait.ge [sflag:s28], $0x2000  }
0x18d: {  	s31 =	smov.u32 s30;
	[sflag:s28] =	ssyncset.done $0x0  }
0x18e: {  	s2 =	sadd.s32 s15, s17;
	[sflag:s28] =	ssyncadd.s32 $0xFFFFE000  }
0x18f: {  	[tilespmem:s23], [sflag:$0xD] =	stream.linear.gather [hbm4b:s2+s6], $0x200, $0x38;
	[tilespmem:$0x1FE00] =	vst v63  }
0x190: {  	_ =	swait.ge [sflag:s19], $0x200  }
0x191: {  	[sflag:s19] =	ssyncset.done $0x0  }
0x192: {  	s31 =	sadd.s32 s15, s16;
	[sflag:s19] =	ssyncadd.s32 $0xFFFFFE00  }
0x193: {  	[tilespmem:s24], [sflag:$0xD] =	stream.linear.gather [hbm4b:s31+s6], $0x200, $0x38;
	[tilespmem:$0x1FE00] =	vst v63  }
0x194: {  	_ =	swait.ge [sflag:s19], $0x200  }
0x195: {  	[sflag:s19] =	ssyncset.done $0x0  }
0x196: {  	[sflag:s19] =	ssyncadd.s32 $0xFFFFFE00  }
0x197: {  	[tilespmem:s26], [sflag:$0x1] =	stream.indirect.gather [spmem:s5], $0x40, s23, s25, $0xb8;
	[tilespmem:$0x1FE00] =	vst v63  }
0x198: {  	_ = 	snop  }
0x199: {  	[tilespmem:s29], [sflag:$0x2] =	stream.indirect.gather [spmem:s5], $0x40, s4, s25, $0xb8;
	[tilespmem:$0x1FE00] =	vst v63  }
0x19a: {  	_ =	swait.ge [sflag:s0], $0x2000  }
0x19b: {  	[sflag:s0] =	ssyncset.done $0x0  }
0x19c: {  	[sflag:s0] =	ssyncadd.s32 $0xFFFFE000  }
0x19d: {  	[spmem:s1] =	stream.indirect.scatter.add.f32 [tilespmem:s26], [sflag:$0x5], $0x40, s24, s25, $0xb8;
	[tilespmem:$0x1FE00] =	vst v63  }
0x19e: {  	_ =	swait.ge [sflag:s9], $0x2000  }
0x19f: {  	[sflag:s9] =	ssyncset.done $0x0  }
0x1a0: {  	[sflag:s9] =	ssyncadd.s32 $0xFFFFE000  }
0x1a1: {  	[spmem:s1] =	stream.indirect.scatter.add.f32 [tilespmem:s29], [sflag:$0x6], $0x40, s7, s25, $0xb8;
	[tilespmem:$0x1FE00] =	vst v63  }
0x1a2: {  	_ = 	snop  }
0x1a3: {  	[tilespmem:s14], [sflag:$0x3] =	stream.indirect.gather [spmem:s5], $0x40, s3, s25, $0xb8;
	[tilespmem:$0x1FE00] =	vst v63  }
0x1a4: {  	_ = 	snop  }
0x1a5: {  	[tilespmem:s20], [sflag:$0x4] =	stream.indirect.gather [spmem:s5], $0x40, s21, s25, $0xb8;
	[tilespmem:$0x1FE00] =	vst v63  }
0x1a6: {  	_ =	swait.ge [sflag:s22], $0x2000  }
0x1a7: {  	[sflag:s22] =	ssyncset.done $0x0  }
0x1a8: {  	[sflag:s22] =	ssyncadd.s32 $0xFFFFE000  }
0x1a9: {  	_ =	swait.ge [sflag:s8], $0x2000  }
0x1aa: {  	[sflag:s8] =	ssyncset.done $0x0  }
0x1ab: {  	[sflag:s8] =	ssyncadd.s32 $0xFFFFE000  }
0x1ac: {  	_ =	swait.ge [sflag:s18], $0x2000  }
0x1ad: {  	[sflag:s18] =	ssyncset.done $0x0  }
0x1ae: {  	[sflag:s18] =	ssyncadd.s32 $0xFFFFE000  }
0x1af: {  	[spmem:s1] =	stream.indirect.scatter.add.f32 [tilespmem:s14], [sflag:$0x7], $0x40, s12, s25, $0xb8;
	[tilespmem:$0x1FE00] =	vst v63  }
0x1b0: {  	_ =	swait.ge [sflag:s13], $0x2000  }
0x1b1: {  	[sflag:s13] =	ssyncset.done $0x0  }
0x1b2: {  	[sflag:s13] =	ssyncadd.s32 $0xFFFFE000  }
0x1b3: {  	[spmem:s1] =	stream.indirect.scatter.add.f32 [tilespmem:s20], [sflag:$0x8], $0x40, s11, s25, $0xb8;
	[tilespmem:$0x1FE00] =	vst v63  }
0x1b4: {  	_ =	swait.ge [sflag:s10], $0x2000  }
0x1b5: {  	[sflag:s10] =	ssyncset.done $0x0  }
0x1b6: {  	[sflag:s10] =	ssyncadd.s32 $0xFFFFE000  }
0x1b7: {  	_ =	swait.ge [sflag:s28], $0x2000  }
0x1b8: {  	[sflag:s28] =	ssyncset.done $0x0  }
0x1b9: {  	[sflag:s28] =	ssyncadd.s32 $0xFFFFE000  }
0x1ba: {  	s7 =	simm.s32 $0x1F600;
	[bflag:$0x0] =	sbarrier.arrive $0xFFFF  }
0x1bb: {  	s11 =	simm.s32 $0x0;
	s10 =	simm.s32 $0x1F400;
	s3 =	rddreg [dreg:$0x3]  }
.LBB2_10:
0x1bc: {  	s12 =	sshll.u32 s11, $0x5;
	s2 =	rddreg [dreg:$0x7]  }
0x1bd: {  	s2 =	sadd.s32 s2, s12  }
0x1be: {  	s4 =	sshll.u32 s2, $0x6  }
0x1bf: {  	s4 =	sand.u32 $0x3FFFFFC0, s4  }
0x1c0: {  	s4 =	sadd.s32 s4, s1  }
0x1c1: {  	[tilespmem:s7], [sflag:$0xD] =	stream.linear.gather [spmem:s4], $0x800, $0x38;
	[tilespmem:$0x1FE00] =	vst v63  }
0x1c2: {  	s2 =	sshll.u32 s2, $0x4;
	_ =	swait.ge [sflag:s19], $0x800  }
0x1c3: {  	s2 =	sand.u32 $0x3FFFFFF0, s2;
	[sflag:s19] =	ssyncset.done $0x0  }
0x1c4: {  	s2 =	sadd.s32 s2, s3;
	[sflag:s19] =	ssyncadd.s32 $0xFFFFF800  }
0x1c5: {  	[tilespmem:s10], [sflag:$0xD] =	stream.linear.gather [spmem:s2], $0x200, $0x38;
	[tilespmem:$0x1FE00] =	vst v63  }
0x1c6: {  	_ =	swait.ge [sflag:s19], $0x200  }
0x1c7: {  	[sflag:s19] =	ssyncset.done $0x0  }
0x1c8: {  	s28 =	simm.s32 $0x0;
	[sflag:s19] =	ssyncadd.s32 $0xFFFFFE00  }
0x1c9: {  	v0 =	vld [tilespmem:s28+$0x1F400];
	_ =	sdelay $0x4  }
0x1ca: {  	v0 =	vmax.f32 v0, $1.000000000e+00  }
0x1cb: {  	(erf) = vrcp.f32 v0;
	_ =	sdelay $0x3  }
0x1cc: {  	s30 =	simm.s32 $0x1F620  }
0x1cd: {  	v62 =	vld [tilespmem:s30+$0xFFFFFFE0]  }
0x1ce: {  	v1 =	vld [tilespmem:s30+$0xFFFFFFF0]  }
0x1cf: {  	v2 =	vld [tilespmem:s30+$0x0]  }
0x1d0: {  	v3 =	vld [tilespmem:s30+$0x10]  }
0x1d1: {  	v4 =	vpop (erf)  }
0x1d2: {  	v0 =	vmul.f32 v4, v62  }
0x1d3: {  	v1 =	vmul.f32 v1, v4  }
0x1d4: {  	v2 =	vmul.f32 v2, v4;
	[tilespmem:s30+$0xFFFFFFE0] =	vst v0  }
0x1d5: {  	v63 =	vmul.f32 v3, v4;
	[tilespmem:s30+$0xFFFFFFF0] =	vst v1  }
0x1d6: {  	[tilespmem:s30+$0x0] =	vst v2  }
0x1d7: {  	s31 =	simm.s32 $0x10;
	s15 =	simm.s32 $0x80;
	[tilespmem:s30+$0x10] =	vst v63  }
.LBB2_11:
0x1d8: {  	p0 =	sne.s32 s15, $0x7C0;
	v0 =	vld [tilespmem:s31+$0x1F400];
	_ =	sdelay $0x4  }
0x1d9: {  	v0 =	vmax.f32 v0, $1.000000000e+00  }
0x1da: {  	(erf) = vrcp.f32 v0;
	_ =	sdelay $0x1  }
0x1db: {  	s30 =	sadd.s32 $0x40, s30  }
0x1dc: {  	v0 =	vld [tilespmem:s30+$0xFFFFFFF0]  }
0x1dd: {  	v1 =	vld [tilespmem:s30+$0x10]  }
0x1de: {  	v2 =	vld [tilespmem:s30+$0xFFFFFFE0]  }
0x1df: {  	v3 =	vld [tilespmem:s30+$0x0];
	_ =	sdelay $0x2  }
0x1e0: {  	v4 =	vpop (erf)  }
0x1e1: {  	v2 =	vmul.f32 v4, v2;
	v0 =	vmul.f32 v0, v4  }
.Ltmp4:
0x1e2: {  	v1 =	vmul.f32 v1, v4;
	v3 =	vmul.f32 v3, v4;
	(pc) =	sbr.rel @p0 .LBB2_11-.Ltmp4, $4  }
0x1e3: {  	[tilespmem:s30+$0xFFFFFFE0] =	vst v2  }
0x1e4: {  	[tilespmem:s30+$0xFFFFFFF0] =	vst v0  }
0x1e5: {  	[tilespmem:s30+$0x0] =	vst v3  }
0x1e6: {  	s31 =	sshra.s32 s15, $0x2;
	s15 =	sadd.s32 $0x40, s15;
	[tilespmem:s30+$0x10] =	vst v1  }
0x1e7: {  	v0 =	vld [tilespmem:s31+$0x1F400];
	_ =	sdelay $0x4  }
0x1e8: {  	v0 =	vmax.f32 v0, $1.000000000e+00  }
0x1e9: {  	(erf) = vrcp.f32 v0;
	_ =	sdelay $0x3  }
0x1ea: {  	s2 =	sadd.s32 $0x40, s30  }
0x1eb: {  	v62 =	vld [tilespmem:s2+$0xFFFFFFE0]  }
0x1ec: {  	v1 =	vld [tilespmem:s2+$0xFFFFFFF0]  }
0x1ed: {  	v2 =	vld [tilespmem:s2+$0x0]  }
0x1ee: {  	v3 =	vld [tilespmem:s2+$0x10]  }
0x1ef: {  	v4 =	vpop (erf)  }
0x1f0: {  	v0 =	vmul.f32 v4, v62  }
0x1f1: {  	v1 =	vmul.f32 v1, v4  }
0x1f2: {  	s4 =	rddreg [dreg:$0x8];
	v2 =	vmul.f32 v2, v4;
	[tilespmem:s2+$0xFFFFFFE0] =	vst v0  }
0x1f3: {  	s11 =	sadd.s32 $0x1, s11;
	s4 =	sadd.s32 s4, s12;
	v63 =	vmul.f32 v3, v4;
	[tilespmem:s2+$0xFFFFFFF0] =	vst v1  }
0x1f4: {  	s31 =	rddreg [dreg:$0xd];
	p0 =	sne.s32 s11, $0x14;
	s4 =	sshll.u32 s4, $0x3;
	[tilespmem:s2+$0x0] =	vst v2  }
.Ltmp5:
0x1f5: {  	[tilespmem:s2+$0x10] =	vst v63;
	s2 =	sadd.s32 s31, s4;
	(pc) =	sbr.rel @p0 .LBB2_10-.Ltmp5, $4  }
0x1f6: {  	[hbm4b:s2+s6] =	stream.linear.scatter [tilespmem:s7], [sflag:$0xD], $0x800, $0x38;
	[tilespmem:$0x1FE00] =	vst v63  }
0x1f7: {  	_ =	swait.ge [sflag:s19], $0x800  }
0x1f8: {  	[sflag:s19] =	ssyncset.done $0x0  }
0x1f9: {  	[sflag:s19] =	ssyncadd.s32 $0xFFFFF800  }
0x1fa: {  	s3 =	rddreg [dreg:$0x15]  }
0x1fb: {  	s2 =	rddreg [dreg:$0x10];
	s3 =	sadd.s32 $0x1, s3  }
0x1fc: {  	p0 =	sne.s32 s3, s2  }
.Ltmp6:
0x1fd: {  	_ = 	snop;
	(pc) =	sbr.rel @p0 .LBB2_1-.Ltmp6, $3  }
0x1fe: {  	_ =	sdelay $0x1  }
0x1ff: {  	s7 =	simm.s32 $0x16A80;
	s12 =	simm.s32 $0x16B00;
	s11 =	simm.s32 $0x16B80  }
0x200: {  	s30 =	simm.s32 $0x16900;
	s31 =	simm.s32 $0x16980;
	s10 =	simm.s32 $0x1EC00  }
0x201: {  	_ =	sfence.sel $0x180000  }
0x202: {  	[bflag:$0x0] =	sbarrier.arrive $0xFFFF  }
0x203: {  	_ =	strace $0x90000047  }
0x204: {  	s0 =	stileid.u32;
	[bflag:$0x2] =	sbarrier.arrive $0xFFFF  }
0x205: {  	p0 =	sne.s32 s0, $0x0;
	s0 =	rddreg [dreg:$0x5]  }
0x206: {  	s0 =	sadd.s32 @!p0 $0x100000, s0  }
0x207: {  	[sflag:s0] =	ssyncadd.tile.s32 @!p0 $0x1;
	_ =	shalt  }
.Lfunc_end2:
_tile_overlayer_lowered:
.L_overlay_start_2:
0x208: {  	(tag) =	ssettag $0x2  }
0x209: {  	s0 =	rddreg [dreg:$0x0];
	s2 =	stileid.u32  }
0x20a: {  	s1 =	rddreg [dreg:$0x1];
	p0 =	sne.s32 s2, $0x0  }
0x20b: {  	s3 =	rddreg [dreg:$0x2];
	[bflag:$0x3] =	sbarrier.arrive $0xFFFF;
	s2 =	simm.s32 @!p0 $0x1C0D  }
0x20c: {  	[timem:s3], [sflag:s2] =	dma.local @!p0 [hbm:s0], s1  }
0x20d: {  	s0 =	simm.s32 @!p0 $0xD  }
0x20e: {  	_ =	swait.ge @!p0 [sflag:s0], s1  }
0x20f: {  	s1 =	ssub.s32 @!p0 $0x0, s1;
	[sflag:s0] =	ssyncset.done @!p0 $0x0  }
0x210: {  	[sflag:s0] =	ssyncadd.s32 @!p0 s1  }
0x211: {  	[bflag:$0x3] =	sbarrier.arrive $0xFFFF  }
0x212: {  	_ =	shalt  }

</sc_bundles>
